<compile_context>
chip_gen: v7x
topology: tpu7x:2x2x1
jax: 0.10.2.dev20260603
libtpu: 0.0.44.dev20260713+nightly
codegen_flags: <defaults>
</compile_context>

<pallas_src>
import jax
import jax.numpy as jnp
from jax import lax
from jax.experimental import pallas as pl
from jax.experimental.pallas import tpu as pltpu
from jax.experimental.pallas import tpu_sc as plsc

NUM_TOKENS = 32768
INPUT_DIM = 768
NUM_EXPERTS = 8
TOKEN_BLOCK = 4096
GRID = NUM_TOKENS // TOKEN_BLOCK

NW = 32
PS = NUM_TOKENS // NW
NL = 16



def _tc_body(x_ref, w_ref, b_ref, idx_ref, wt_ref):
    x = x_ref[...]
    w = w_ref[...]
    b = b_ref[...]
    logits = lax.dot_general(
        x, w, dimension_numbers=(((1,), (1,)), ((), ())),
        preferred_element_type=jnp.float32,
    ) + b
    m = jnp.max(logits, axis=1, keepdims=True)
    unnorm = jnp.exp(logits - m)
    s = jnp.sum(unnorm, axis=1, keepdims=True)
    probs = unnorm / s
    pmax = jnp.max(probs, axis=1, keepdims=True)
    iota_e = lax.broadcasted_iota(jnp.int32, probs.shape, 1)
    idx = jnp.min(jnp.where(probs == pmax, iota_e, NUM_EXPERTS),
                  axis=1, keepdims=True)
    idx_ref[...] = idx
    wt_ref[...] = pmax


def _tc_call(x, W, b2d):
    return pl.pallas_call(
        _tc_body,
        grid=(GRID,),
        in_specs=[
            pl.BlockSpec((TOKEN_BLOCK, INPUT_DIM), lambda i: (i, 0)),
            pl.BlockSpec((NUM_EXPERTS, INPUT_DIM), lambda i: (0, 0)),
            pl.BlockSpec((1, NUM_EXPERTS), lambda i: (0, 0)),
        ],
        out_specs=[
            pl.BlockSpec((TOKEN_BLOCK, 1), lambda i: (i, 0)),
            pl.BlockSpec((TOKEN_BLOCK, 1), lambda i: (i, 0)),
        ],
        out_shape=[
            jax.ShapeDtypeStruct((NUM_TOKENS, 1), jnp.int32),
            jax.ShapeDtypeStruct((NUM_TOKENS, 1), jnp.float32),
        ],
    )(x, W, b2d)



def _lane_perm(v, perm):
    return v.at[perm].get(mode="promise_in_bounds")


def _xreduce(v, perms):
    for p in perms:
        v = v + _lane_perm(v, p)
    return v


def _schist_body(idx_hbm, part_out, ib, cntv, sem0):
    cid = lax.axis_index("c")
    sid = lax.axis_index("s")
    wid = sid * 2 + cid
    iota16 = lax.iota(jnp.int32, NL)
    perms = [jnp.bitwise_xor(iota16, sh) for sh in (8, 4, 2, 1)]

    pltpu.async_copy(idx_hbm.at[pl.ds(wid * PS, PS)], ib, sem0).wait()

    def cnt_body(g, accs):
        iv = ib[pl.ds(g * NL, NL)]
        return tuple(
            accs[e] + jnp.where(iv == e, 1.0, 0.0)
            for e in range(NUM_EXPERTS))

    zero = jnp.zeros((NL,), jnp.float32)
    caccs = lax.fori_loop(0, PS // NL, cnt_body,
                          tuple(zero for _ in range(NUM_EXPERTS)))
    v = jnp.zeros((NL,), jnp.float32)
    for e in range(NUM_EXPERTS):
        v = jnp.where(iota16 == e, _xreduce(caccs[e], perms), v)
    cntv[...] = v
    pltpu.sync_copy(cntv, part_out.at[wid])


def _schist_call(idx1d):
    mesh = plsc.VectorSubcoreMesh(core_axis_name="c", subcore_axis_name="s")
    import functools

    @functools.partial(
        pl.kernel,
        out_type=jax.ShapeDtypeStruct((NW, NL), jnp.float32),
        mesh=mesh,
        scratch_types=[
            pltpu.VMEM((PS,), jnp.int32),
            pltpu.VMEM((NL,), jnp.float32),
            pltpu.SemaphoreType.DMA,
        ],
    )
    def call(idx_hbm, part_out, *scratch):
        _schist_body(idx_hbm, part_out, *scratch)

    return call(idx1d)



def _psum_body(part_ref, cnt_ref):
    p = part_ref[...]
    s = jnp.sum(p, axis=0, keepdims=True)
    cnt_ref[...] = s[:, :NUM_EXPERTS]


def _psum_call(parts):
    return pl.pallas_call(
        _psum_body,
        out_shape=jax.ShapeDtypeStruct((1, NUM_EXPERTS), jnp.float32),
    )(parts)


def kernel(x, W, b):
    idx2d, wt2d = _tc_call(x, W, b.reshape(1, NUM_EXPERTS))
    idx1d = idx2d.reshape(NUM_TOKENS)
    parts = _schist_call(idx1d)
    cnt2d = _psum_call(parts)
    return idx1d, wt2d[:, 0], cnt2d[0]

# --- scband reference (transcript-rebuilt; emitter-appended) ---
"""Pipeline reference for scband-sparse-router-20761871909275 (READ-ONLY COPY).

The authoritative reference and input builder live on the scoring server;
editing this copy changes nothing except your own understanding.
"""

import jax, jax.numpy as jnp
import numpy as np

NUM_TOKENS = 32768
INPUT_DIM = 768
NUM_EXPERTS = 8
TEMPERATURE = 1.0


def setup_inputs(seed: int = 0) -> dict:
    key = jax.random.key(seed)
    k1, k2, k3 = jax.random.split(key, 3)
    x = jax.random.normal(k1, (NUM_TOKENS, INPUT_DIM), dtype=jnp.float32)
    # nn.Linear(input_dim, num_experts): weight [E, D], bias [E]
    bound = 1.0 / np.sqrt(INPUT_DIM)
    W = jax.random.uniform(k2, (NUM_EXPERTS, INPUT_DIM), dtype=jnp.float32, minval=-bound, maxval=bound)
    b = jax.random.uniform(k3, (NUM_EXPERTS,), dtype=jnp.float32, minval=-bound, maxval=bound)
    return {"x": x, "W": W, "b": b}


def reference(x, W, b):
    # logits = Linear(x) / temperature
    logits = (x @ W.T + b) / TEMPERATURE
    probs = jax.nn.softmax(logits, axis=-1)
    expert_indices = jnp.argmax(probs, axis=-1)
    expert_weights = jnp.max(probs, axis=-1)
    # tokens_per_expert[i] = count of tokens routed to expert i (scatter-add of ones)
    tokens_per_expert = jnp.zeros((NUM_EXPERTS,), dtype=jnp.float32).at[expert_indices].add(1.0)
    return expert_indices, expert_weights, tokens_per_expert

if __name__ == "__main__":
    import jax
    _d = setup_inputs()
    print(jax.jit(kernel)(*tuple(_d.values())))

</pallas_src>

<mosaic_0001>
#map = affine_map<(d0, d1) -> (0)>
#map1 = affine_map<(d0, d1) -> (0, 0)>
module attributes {stable_mosaic.version = 14 : i64} {
  func.func @call(%arg0: i32, %arg1: i32, %arg2: memref<32768xi32, #tpu.memory_space<hbm>>, %arg3: memref<32x16xf32, #tpu.memory_space<hbm>>, %arg4: memref<1024xi32, #tpu.memory_space<vmem>>, %arg5: memref<16xf32, #tpu.memory_space<vmem>>, %arg6: memref<!tpu.dma_semaphore, #tpu.memory_space<semaphore_mem>>) attributes {dimension_semantics = [#tpu.dimension_semantics<core_parallel>, #tpu.dimension_semantics<subcore_parallel>], iteration_bounds = array<i64: 2, 16>, scalar_prefetch = 0 : i64, scratch_operands = 3 : i64, tpu.core_type = #tpu.core_type<sc_vector_subcore>, window_params = [{transform_indices = #map}, {transform_indices = #map1}]} {
    %mul3A = arith.constant 2 : i32
    %mul3A_0 = arith.muli %arg1, %mul3A : i32
    %add3A = arith.addi %mul3A_0, %arg0 : i32
    %iota3A = tpu.iota {dimensions = array<i32: 0>} : vector<16xi32>
    %xor3A = arith.constant 8 : i32
    %xor3A_1 = vector.broadcast %xor3A : i32 to vector<16xi32>
    %xor3A_2 = arith.xori %iota3A, %xor3A_1 : vector<16xi32>
    %xor3A_3 = arith.constant 4 : i32
    %xor3A_4 = vector.broadcast %xor3A_3 : i32 to vector<16xi32>
    %xor3A_5 = arith.xori %iota3A, %xor3A_4 : vector<16xi32>
    %xor3A_6 = arith.constant 2 : i32
    %xor3A_7 = vector.broadcast %xor3A_6 : i32 to vector<16xi32>
    %xor3A_8 = arith.xori %iota3A, %xor3A_7 : vector<16xi32>
    %xor3A_9 = arith.constant 1 : i32
    %xor3A_10 = vector.broadcast %xor3A_9 : i32 to vector<16xi32>
    %xor3A_11 = arith.xori %iota3A, %xor3A_10 : vector<16xi32>
    %mul3A_12 = arith.constant 1024 : i32
    %mul3A_13 = arith.muli %add3A, %mul3A_12 : i32
    %dma_start3A = tpu.memref_slice %arg2[%mul3A_13] : memref<32768xi32, #tpu.memory_space<hbm>> -> memref<1024xi32, #tpu.memory_space<hbm>>
    %dma_start3A_14 = tpu.memref_slice %arg2[%mul3A_13] : memref<32768xi32, #tpu.memory_space<hbm>> -> memref<1024xi32, #tpu.memory_space<hbm>>
    tpu.enqueue_dma source(%dma_start3A_14 : memref<1024xi32, #tpu.memory_space<hbm>>) target(%arg4 : memref<1024xi32, #tpu.memory_space<vmem>>) target_semaphore(%arg6 : memref<!tpu.dma_semaphore, #tpu.memory_space<semaphore_mem>>)
    %dma_wait3A = tpu.memref_slice %arg2[%mul3A_13] : memref<32768xi32, #tpu.memory_space<hbm>> -> memref<1024xi32, #tpu.memory_space<hbm>>
    %dma_wait3A_15 = tpu.memref_slice %arg2[%mul3A_13] : memref<32768xi32, #tpu.memory_space<hbm>> -> memref<1024xi32, #tpu.memory_space<hbm>>
    tpu.wait_dma2 semaphore(%arg6 : memref<!tpu.dma_semaphore, #tpu.memory_space<semaphore_mem>>) src(%dma_wait3A_15 : memref<1024xi32, #tpu.memory_space<hbm>>) dst(%arg4 : memref<1024xi32, #tpu.memory_space<vmem>>)
    %broadcast_in_dim3A = arith.constant 0.000000e+00 : f32
    %broadcast_in_dim3A_16 = vector.broadcast %broadcast_in_dim3A : f32 to vector<16xf32>
    %scan3A = arith.constant 0 : i32
    %scan3A_17 = arith.constant 64 : i32
    %scan3A_18 = arith.addi %scan3A, %scan3A_17 : i32
    %scan3A_19 = arith.constant 1 : i32
    %scan3A_20:8 = scf.for %scan3A_407 = %scan3A to %scan3A_18 step %scan3A_19 iter_args(%scan3A_408 = %broadcast_in_dim3A_16, %scan3A_409 = %broadcast_in_dim3A_16, %scan3A_410 = %broadcast_in_dim3A_16, %scan3A_411 = %broadcast_in_dim3A_16, %scan3A_412 = %broadcast_in_dim3A_16, %scan3A_413 = %broadcast_in_dim3A_16, %scan3A_414 = %broadcast_in_dim3A_16, %scan3A_415 = %broadcast_in_dim3A_16) -> (vector<16xf32>, vector<16xf32>, vector<16xf32>, vector<16xf32>, vector<16xf32>, vector<16xf32>, vector<16xf32>, vector<16xf32>)  : i32 {
      %mul3A_416 = arith.constant 16 : i32
      %mul3A_417 = arith.muli %scan3A_407, %mul3A_416 : i32
      %get3A = arith.index_cast %mul3A_417 : i32 to index
      %get3A_418 = tpu.vector_load %arg4[%get3A] {strides = array<i32>} : memref<1024xi32, #tpu.memory_space<vmem>>, vector<16xi32>,
      %get3A_419 = vector.shape_cast %get3A_418 : vector<16xi32> to vector<16xi32>
      %eq3A_420 = arith.constant 0 : i32
      %eq3A_421 = vector.broadcast %eq3A_420 : i32 to vector<16xi32>
      %eq3A_422 = arith.cmpi eq, %get3A_419, %eq3A_421 : vector<16xi32>
      %jit3A = arith.constant 1.000000e+00 : f32
      %jit3A_423 = arith.constant 0.000000e+00 : f32
      %broadcast_in_dim3A_424 = vector.broadcast %jit3A : f32 to vector<16xf32>
      %broadcast_in_dim3A_425 = vector.broadcast %jit3A_423 : f32 to vector<16xf32>
      %select_n3A_426 = arith.select %eq3A_422, %broadcast_in_dim3A_424, %broadcast_in_dim3A_425 : vector<16xi1>, vector<16xf32>
      %add3A_427 = arith.addf %scan3A_408, %select_n3A_426 : vector<16xf32>
      %eq3A_428 = arith.constant 1 : i32
      %eq3A_429 = vector.broadcast %eq3A_428 : i32 to vector<16xi32>
      %eq3A_430 = arith.cmpi eq, %get3A_419, %eq3A_429 : vector<16xi32>
      %jit3A_431 = arith.constant 1.000000e+00 : f32
      %jit3A_432 = arith.constant 0.000000e+00 : f32
      %broadcast_in_dim3A_433 = vector.broadcast %jit3A_431 : f32 to vector<16xf32>
      %broadcast_in_dim3A_434 = vector.broadcast %jit3A_432 : f32 to vector<16xf32>
      %select_n3A_435 = arith.select %eq3A_430, %broadcast_in_dim3A_433, %broadcast_in_dim3A_434 : vector<16xi1>, vector<16xf32>
      %add3A_436 = arith.addf %scan3A_409, %select_n3A_435 : vector<16xf32>
      %eq3A_437 = arith.constant 2 : i32
      %eq3A_438 = vector.broadcast %eq3A_437 : i32 to vector<16xi32>
      %eq3A_439 = arith.cmpi eq, %get3A_419, %eq3A_438 : vector<16xi32>
      %jit3A_440 = arith.constant 1.000000e+00 : f32
      %jit3A_441 = arith.constant 0.000000e+00 : f32
      %broadcast_in_dim3A_442 = vector.broadcast %jit3A_440 : f32 to vector<16xf32>
      %broadcast_in_dim3A_443 = vector.broadcast %jit3A_441 : f32 to vector<16xf32>
      %select_n3A_444 = arith.select %eq3A_439, %broadcast_in_dim3A_442, %broadcast_in_dim3A_443 : vector<16xi1>, vector<16xf32>
      %add3A_445 = arith.addf %scan3A_410, %select_n3A_444 : vector<16xf32>
      %eq3A_446 = arith.constant 3 : i32
      %eq3A_447 = vector.broadcast %eq3A_446 : i32 to vector<16xi32>
      %eq3A_448 = arith.cmpi eq, %get3A_419, %eq3A_447 : vector<16xi32>
      %jit3A_449 = arith.constant 1.000000e+00 : f32
      %jit3A_450 = arith.constant 0.000000e+00 : f32
      %broadcast_in_dim3A_451 = vector.broadcast %jit3A_449 : f32 to vector<16xf32>
      %broadcast_in_dim3A_452 = vector.broadcast %jit3A_450 : f32 to vector<16xf32>
      %select_n3A_453 = arith.select %eq3A_448, %broadcast_in_dim3A_451, %broadcast_in_dim3A_452 : vector<16xi1>, vector<16xf32>
      %add3A_454 = arith.addf %scan3A_411, %select_n3A_453 : vector<16xf32>
      %eq3A_455 = arith.constant 4 : i32
      %eq3A_456 = vector.broadcast %eq3A_455 : i32 to vector<16xi32>
      %eq3A_457 = arith.cmpi eq, %get3A_419, %eq3A_456 : vector<16xi32>
      %jit3A_458 = arith.constant 1.000000e+00 : f32
      %jit3A_459 = arith.constant 0.000000e+00 : f32
      %broadcast_in_dim3A_460 = vector.broadcast %jit3A_458 : f32 to vector<16xf32>
      %broadcast_in_dim3A_461 = vector.broadcast %jit3A_459 : f32 to vector<16xf32>
      %select_n3A_462 = arith.select %eq3A_457, %broadcast_in_dim3A_460, %broadcast_in_dim3A_461 : vector<16xi1>, vector<16xf32>
      %add3A_463 = arith.addf %scan3A_412, %select_n3A_462 : vector<16xf32>
      %eq3A_464 = arith.constant 5 : i32
      %eq3A_465 = vector.broadcast %eq3A_464 : i32 to vector<16xi32>
      %eq3A_466 = arith.cmpi eq, %get3A_419, %eq3A_465 : vector<16xi32>
      %jit3A_467 = arith.constant 1.000000e+00 : f32
      %jit3A_468 = arith.constant 0.000000e+00 : f32
      %broadcast_in_dim3A_469 = vector.broadcast %jit3A_467 : f32 to vector<16xf32>
      %broadcast_in_dim3A_470 = vector.broadcast %jit3A_468 : f32 to vector<16xf32>
      %select_n3A_471 = arith.select %eq3A_466, %broadcast_in_dim3A_469, %broadcast_in_dim3A_470 : vector<16xi1>, vector<16xf32>
      %add3A_472 = arith.addf %scan3A_413, %select_n3A_471 : vector<16xf32>
      %eq3A_473 = arith.constant 6 : i32
      %eq3A_474 = vector.broadcast %eq3A_473 : i32 to vector<16xi32>
      %eq3A_475 = arith.cmpi eq, %get3A_419, %eq3A_474 : vector<16xi32>
      %jit3A_476 = arith.constant 1.000000e+00 : f32
      %jit3A_477 = arith.constant 0.000000e+00 : f32
      %broadcast_in_dim3A_478 = vector.broadcast %jit3A_476 : f32 to vector<16xf32>
      %broadcast_in_dim3A_479 = vector.broadcast %jit3A_477 : f32 to vector<16xf32>
      %select_n3A_480 = arith.select %eq3A_475, %broadcast_in_dim3A_478, %broadcast_in_dim3A_479 : vector<16xi1>, vector<16xf32>
      %add3A_481 = arith.addf %scan3A_414, %select_n3A_480 : vector<16xf32>
      %eq3A_482 = arith.constant 7 : i32
      %eq3A_483 = vector.broadcast %eq3A_482 : i32 to vector<16xi32>
      %eq3A_484 = arith.cmpi eq, %get3A_419, %eq3A_483 : vector<16xi32>
      %jit3A_485 = arith.constant 1.000000e+00 : f32
      %jit3A_486 = arith.constant 0.000000e+00 : f32
      %broadcast_in_dim3A_487 = vector.broadcast %jit3A_485 : f32 to vector<16xf32>
      %broadcast_in_dim3A_488 = vector.broadcast %jit3A_486 : f32 to vector<16xf32>
      %select_n3A_489 = arith.select %eq3A_484, %broadcast_in_dim3A_487, %broadcast_in_dim3A_488 : vector<16xi1>, vector<16xf32>
      %add3A_490 = arith.addf %scan3A_415, %select_n3A_489 : vector<16xf32>
      scf.yield %add3A_427, %add3A_436, %add3A_445, %add3A_454, %add3A_463, %add3A_472, %add3A_481, %add3A_490 : vector<16xf32>, vector<16xf32>, vector<16xf32>, vector<16xf32>, vector<16xf32>, vector<16xf32>, vector<16xf32>, vector<16xf32>
    }
    %scan3A_21 = arith.constant 64 : i32
    %broadcast_in_dim3A_22 = arith.constant 0.000000e+00 : f32
    %broadcast_in_dim3A_23 = vector.broadcast %broadcast_in_dim3A_22 : f32 to vector<16xf32>
    %eq3A = arith.constant 0 : i32
    %eq3A_24 = vector.broadcast %eq3A : i32 to vector<16xi32>
    %eq3A_25 = arith.cmpi eq, %iota3A, %eq3A_24 : vector<16xi32>
    %lt3A = arith.constant 0 : i32
    %lt3A_26 = vector.broadcast %lt3A : i32 to vector<16xi32>
    %lt3A_27 = arith.cmpi slt, %xor3A_2, %lt3A_26 : vector<16xi32>
    %add3A_28 = arith.constant 16 : i32
    %add3A_29 = vector.broadcast %add3A_28 : i32 to vector<16xi32>
    %add3A_30 = arith.addi %xor3A_2, %add3A_29 : vector<16xi32>
    %select_n3A = arith.select %lt3A_27, %add3A_30, %xor3A_2 : vector<16xi1>, vector<16xi32>
    %broadcast_in_dim3A_31 = vector.shape_cast %select_n3A : vector<16xi32> to vector<16x1xi32>
    %gather3A = vector.shape_cast %broadcast_in_dim3A_31 : vector<16x1xi32> to vector<16xi32>
    %gather3A_32 = tpu.dynamic_gather %scan3A_20#0[%gather3A] in [0] : vector<16xf32>, vector<16xi32> -> vector<16xf32>
    %add3A_33 = arith.addf %scan3A_20#0, %gather3A_32 : vector<16xf32>
    %lt3A_34 = arith.constant 0 : i32
    %lt3A_35 = vector.broadcast %lt3A_34 : i32 to vector<16xi32>
    %lt3A_36 = arith.cmpi slt, %xor3A_5, %lt3A_35 : vector<16xi32>
    %add3A_37 = arith.constant 16 : i32
    %add3A_38 = vector.broadcast %add3A_37 : i32 to vector<16xi32>
    %add3A_39 = arith.addi %xor3A_5, %add3A_38 : vector<16xi32>
    %select_n3A_40 = arith.select %lt3A_36, %add3A_39, %xor3A_5 : vector<16xi1>, vector<16xi32>
    %broadcast_in_dim3A_41 = vector.shape_cast %select_n3A_40 : vector<16xi32> to vector<16x1xi32>
    %gather3A_42 = vector.shape_cast %broadcast_in_dim3A_41 : vector<16x1xi32> to vector<16xi32>
    %gather3A_43 = tpu.dynamic_gather %add3A_33[%gather3A_42] in [0] : vector<16xf32>, vector<16xi32> -> vector<16xf32>
    %add3A_44 = arith.addf %add3A_33, %gather3A_43 : vector<16xf32>
    %lt3A_45 = arith.constant 0 : i32
    %lt3A_46 = vector.broadcast %lt3A_45 : i32 to vector<16xi32>
    %lt3A_47 = arith.cmpi slt, %xor3A_8, %lt3A_46 : vector<16xi32>
    %add3A_48 = arith.constant 16 : i32
    %add3A_49 = vector.broadcast %add3A_48 : i32 to vector<16xi32>
    %add3A_50 = arith.addi %xor3A_8, %add3A_49 : vector<16xi32>
    %select_n3A_51 = arith.select %lt3A_47, %add3A_50, %xor3A_8 : vector<16xi1>, vector<16xi32>
    %broadcast_in_dim3A_52 = vector.shape_cast %select_n3A_51 : vector<16xi32> to vector<16x1xi32>
    %gather3A_53 = vector.shape_cast %broadcast_in_dim3A_52 : vector<16x1xi32> to vector<16xi32>
    %gather3A_54 = tpu.dynamic_gather %add3A_44[%gather3A_53] in [0] : vector<16xf32>, vector<16xi32> -> vector<16xf32>
    %add3A_55 = arith.addf %add3A_44, %gather3A_54 : vector<16xf32>
    %lt3A_56 = arith.constant 0 : i32
    %lt3A_57 = vector.broadcast %lt3A_56 : i32 to vector<16xi32>
    %lt3A_58 = arith.cmpi slt, %xor3A_11, %lt3A_57 : vector<16xi32>
    %add3A_59 = arith.constant 16 : i32
    %add3A_60 = vector.broadcast %add3A_59 : i32 to vector<16xi32>
    %add3A_61 = arith.addi %xor3A_11, %add3A_60 : vector<16xi32>
    %select_n3A_62 = arith.select %lt3A_58, %add3A_61, %xor3A_11 : vector<16xi1>, vector<16xi32>
    %broadcast_in_dim3A_63 = vector.shape_cast %select_n3A_62 : vector<16xi32> to vector<16x1xi32>
    %gather3A_64 = vector.shape_cast %broadcast_in_dim3A_63 : vector<16x1xi32> to vector<16xi32>
    %gather3A_65 = tpu.dynamic_gather %add3A_55[%gather3A_64] in [0] : vector<16xf32>, vector<16xi32> -> vector<16xf32>
    %add3A_66 = arith.addf %add3A_55, %gather3A_65 : vector<16xf32>
    %select_n3A_67 = arith.select %eq3A_25, %add3A_66, %broadcast_in_dim3A_23 : vector<16xi1>, vector<16xf32>
    %eq3A_68 = arith.constant 1 : i32
    %eq3A_69 = vector.broadcast %eq3A_68 : i32 to vector<16xi32>
    %eq3A_70 = arith.cmpi eq, %iota3A, %eq3A_69 : vector<16xi32>
    %lt3A_71 = arith.constant 0 : i32
    %lt3A_72 = vector.broadcast %lt3A_71 : i32 to vector<16xi32>
    %lt3A_73 = arith.cmpi slt, %xor3A_2, %lt3A_72 : vector<16xi32>
    %add3A_74 = arith.constant 16 : i32
    %add3A_75 = vector.broadcast %add3A_74 : i32 to vector<16xi32>
    %add3A_76 = arith.addi %xor3A_2, %add3A_75 : vector<16xi32>
    %select_n3A_77 = arith.select %lt3A_73, %add3A_76, %xor3A_2 : vector<16xi1>, vector<16xi32>
    %broadcast_in_dim3A_78 = vector.shape_cast %select_n3A_77 : vector<16xi32> to vector<16x1xi32>
    %gather3A_79 = vector.shape_cast %broadcast_in_dim3A_78 : vector<16x1xi32> to vector<16xi32>
    %gather3A_80 = tpu.dynamic_gather %scan3A_20#1[%gather3A_79] in [0] : vector<16xf32>, vector<16xi32> -> vector<16xf32>
    %add3A_81 = arith.addf %scan3A_20#1, %gather3A_80 : vector<16xf32>
    %lt3A_82 = arith.constant 0 : i32
    %lt3A_83 = vector.broadcast %lt3A_82 : i32 to vector<16xi32>
    %lt3A_84 = arith.cmpi slt, %xor3A_5, %lt3A_83 : vector<16xi32>
    %add3A_85 = arith.constant 16 : i32
    %add3A_86 = vector.broadcast %add3A_85 : i32 to vector<16xi32>
    %add3A_87 = arith.addi %xor3A_5, %add3A_86 : vector<16xi32>
    %select_n3A_88 = arith.select %lt3A_84, %add3A_87, %xor3A_5 : vector<16xi1>, vector<16xi32>
    %broadcast_in_dim3A_89 = vector.shape_cast %select_n3A_88 : vector<16xi32> to vector<16x1xi32>
    %gather3A_90 = vector.shape_cast %broadcast_in_dim3A_89 : vector<16x1xi32> to vector<16xi32>
    %gather3A_91 = tpu.dynamic_gather %add3A_81[%gather3A_90] in [0] : vector<16xf32>, vector<16xi32> -> vector<16xf32>
    %add3A_92 = arith.addf %add3A_81, %gather3A_91 : vector<16xf32>
    %lt3A_93 = arith.constant 0 : i32
    %lt3A_94 = vector.broadcast %lt3A_93 : i32 to vector<16xi32>
    %lt3A_95 = arith.cmpi slt, %xor3A_8, %lt3A_94 : vector<16xi32>
    %add3A_96 = arith.constant 16 : i32
    %add3A_97 = vector.broadcast %add3A_96 : i32 to vector<16xi32>
    %add3A_98 = arith.addi %xor3A_8, %add3A_97 : vector<16xi32>
    %select_n3A_99 = arith.select %lt3A_95, %add3A_98, %xor3A_8 : vector<16xi1>, vector<16xi32>
    %broadcast_in_dim3A_100 = vector.shape_cast %select_n3A_99 : vector<16xi32> to vector<16x1xi32>
    %gather3A_101 = vector.shape_cast %broadcast_in_dim3A_100 : vector<16x1xi32> to vector<16xi32>
    %gather3A_102 = tpu.dynamic_gather %add3A_92[%gather3A_101] in [0] : vector<16xf32>, vector<16xi32> -> vector<16xf32>
    %add3A_103 = arith.addf %add3A_92, %gather3A_102 : vector<16xf32>
    %lt3A_104 = arith.constant 0 : i32
    %lt3A_105 = vector.broadcast %lt3A_104 : i32 to vector<16xi32>
    %lt3A_106 = arith.cmpi slt, %xor3A_11, %lt3A_105 : vector<16xi32>
    %add3A_107 = arith.constant 16 : i32
    %add3A_108 = vector.broadcast %add3A_107 : i32 to vector<16xi32>
    %add3A_109 = arith.addi %xor3A_11, %add3A_108 : vector<16xi32>
    %select_n3A_110 = arith.select %lt3A_106, %add3A_109, %xor3A_11 : vector<16xi1>, vector<16xi32>
    %broadcast_in_dim3A_111 = vector.shape_cast %select_n3A_110 : vector<16xi32> to vector<16x1xi32>
    %gather3A_112 = vector.shape_cast %broadcast_in_dim3A_111 : vector<16x1xi32> to vector<16xi32>
    %gather3A_113 = tpu.dynamic_gather %add3A_103[%gather3A_112] in [0] : vector<16xf32>, vector<16xi32> -> vector<16xf32>
    %add3A_114 = arith.addf %add3A_103, %gather3A_113 : vector<16xf32>
    %select_n3A_115 = arith.select %eq3A_70, %add3A_114, %select_n3A_67 : vector<16xi1>, vector<16xf32>
    %eq3A_116 = arith.constant 2 : i32
    %eq3A_117 = vector.broadcast %eq3A_116 : i32 to vector<16xi32>
    %eq3A_118 = arith.cmpi eq, %iota3A, %eq3A_117 : vector<16xi32>
    %lt3A_119 = arith.constant 0 : i32
    %lt3A_120 = vector.broadcast %lt3A_119 : i32 to vector<16xi32>
    %lt3A_121 = arith.cmpi slt, %xor3A_2, %lt3A_120 : vector<16xi32>
    %add3A_122 = arith.constant 16 : i32
    %add3A_123 = vector.broadcast %add3A_122 : i32 to vector<16xi32>
    %add3A_124 = arith.addi %xor3A_2, %add3A_123 : vector<16xi32>
    %select_n3A_125 = arith.select %lt3A_121, %add3A_124, %xor3A_2 : vector<16xi1>, vector<16xi32>
    %broadcast_in_dim3A_126 = vector.shape_cast %select_n3A_125 : vector<16xi32> to vector<16x1xi32>
    %gather3A_127 = vector.shape_cast %broadcast_in_dim3A_126 : vector<16x1xi32> to vector<16xi32>
    %gather3A_128 = tpu.dynamic_gather %scan3A_20#2[%gather3A_127] in [0] : vector<16xf32>, vector<16xi32> -> vector<16xf32>
    %add3A_129 = arith.addf %scan3A_20#2, %gather3A_128 : vector<16xf32>
    %lt3A_130 = arith.constant 0 : i32
    %lt3A_131 = vector.broadcast %lt3A_130 : i32 to vector<16xi32>
    %lt3A_132 = arith.cmpi slt, %xor3A_5, %lt3A_131 : vector<16xi32>
    %add3A_133 = arith.constant 16 : i32
    %add3A_134 = vector.broadcast %add3A_133 : i32 to vector<16xi32>
    %add3A_135 = arith.addi %xor3A_5, %add3A_134 : vector<16xi32>
    %select_n3A_136 = arith.select %lt3A_132, %add3A_135, %xor3A_5 : vector<16xi1>, vector<16xi32>
    %broadcast_in_dim3A_137 = vector.shape_cast %select_n3A_136 : vector<16xi32> to vector<16x1xi32>
    %gather3A_138 = vector.shape_cast %broadcast_in_dim3A_137 : vector<16x1xi32> to vector<16xi32>
    %gather3A_139 = tpu.dynamic_gather %add3A_129[%gather3A_138] in [0] : vector<16xf32>, vector<16xi32> -> vector<16xf32>
    %add3A_140 = arith.addf %add3A_129, %gather3A_139 : vector<16xf32>
    %lt3A_141 = arith.constant 0 : i32
    %lt3A_142 = vector.broadcast %lt3A_141 : i32 to vector<16xi32>
    %lt3A_143 = arith.cmpi slt, %xor3A_8, %lt3A_142 : vector<16xi32>
    %add3A_144 = arith.constant 16 : i32
    %add3A_145 = vector.broadcast %add3A_144 : i32 to vector<16xi32>
    %add3A_146 = arith.addi %xor3A_8, %add3A_145 : vector<16xi32>
    %select_n3A_147 = arith.select %lt3A_143, %add3A_146, %xor3A_8 : vector<16xi1>, vector<16xi32>
    %broadcast_in_dim3A_148 = vector.shape_cast %select_n3A_147 : vector<16xi32> to vector<16x1xi32>
    %gather3A_149 = vector.shape_cast %broadcast_in_dim3A_148 : vector<16x1xi32> to vector<16xi32>
    %gather3A_150 = tpu.dynamic_gather %add3A_140[%gather3A_149] in [0] : vector<16xf32>, vector<16xi32> -> vector<16xf32>
    %add3A_151 = arith.addf %add3A_140, %gather3A_150 : vector<16xf32>
    %lt3A_152 = arith.constant 0 : i32
    %lt3A_153 = vector.broadcast %lt3A_152 : i32 to vector<16xi32>
    %lt3A_154 = arith.cmpi slt, %xor3A_11, %lt3A_153 : vector<16xi32>
    %add3A_155 = arith.constant 16 : i32
    %add3A_156 = vector.broadcast %add3A_155 : i32 to vector<16xi32>
    %add3A_157 = arith.addi %xor3A_11, %add3A_156 : vector<16xi32>
    %select_n3A_158 = arith.select %lt3A_154, %add3A_157, %xor3A_11 : vector<16xi1>, vector<16xi32>
    %broadcast_in_dim3A_159 = vector.shape_cast %select_n3A_158 : vector<16xi32> to vector<16x1xi32>
    %gather3A_160 = vector.shape_cast %broadcast_in_dim3A_159 : vector<16x1xi32> to vector<16xi32>
    %gather3A_161 = tpu.dynamic_gather %add3A_151[%gather3A_160] in [0] : vector<16xf32>, vector<16xi32> -> vector<16xf32>
    %add3A_162 = arith.addf %add3A_151, %gather3A_161 : vector<16xf32>
    %select_n3A_163 = arith.select %eq3A_118, %add3A_162, %select_n3A_115 : vector<16xi1>, vector<16xf32>
    %eq3A_164 = arith.constant 3 : i32
    %eq3A_165 = vector.broadcast %eq3A_164 : i32 to vector<16xi32>
    %eq3A_166 = arith.cmpi eq, %iota3A, %eq3A_165 : vector<16xi32>
    %lt3A_167 = arith.constant 0 : i32
    %lt3A_168 = vector.broadcast %lt3A_167 : i32 to vector<16xi32>
    %lt3A_169 = arith.cmpi slt, %xor3A_2, %lt3A_168 : vector<16xi32>
    %add3A_170 = arith.constant 16 : i32
    %add3A_171 = vector.broadcast %add3A_170 : i32 to vector<16xi32>
    %add3A_172 = arith.addi %xor3A_2, %add3A_171 : vector<16xi32>
    %select_n3A_173 = arith.select %lt3A_169, %add3A_172, %xor3A_2 : vector<16xi1>, vector<16xi32>
    %broadcast_in_dim3A_174 = vector.shape_cast %select_n3A_173 : vector<16xi32> to vector<16x1xi32>
    %gather3A_175 = vector.shape_cast %broadcast_in_dim3A_174 : vector<16x1xi32> to vector<16xi32>
    %gather3A_176 = tpu.dynamic_gather %scan3A_20#3[%gather3A_175] in [0] : vector<16xf32>, vector<16xi32> -> vector<16xf32>
    %add3A_177 = arith.addf %scan3A_20#3, %gather3A_176 : vector<16xf32>
    %lt3A_178 = arith.constant 0 : i32
    %lt3A_179 = vector.broadcast %lt3A_178 : i32 to vector<16xi32>
    %lt3A_180 = arith.cmpi slt, %xor3A_5, %lt3A_179 : vector<16xi32>
    %add3A_181 = arith.constant 16 : i32
    %add3A_182 = vector.broadcast %add3A_181 : i32 to vector<16xi32>
    %add3A_183 = arith.addi %xor3A_5, %add3A_182 : vector<16xi32>
    %select_n3A_184 = arith.select %lt3A_180, %add3A_183, %xor3A_5 : vector<16xi1>, vector<16xi32>
    %broadcast_in_dim3A_185 = vector.shape_cast %select_n3A_184 : vector<16xi32> to vector<16x1xi32>
    %gather3A_186 = vector.shape_cast %broadcast_in_dim3A_185 : vector<16x1xi32> to vector<16xi32>
    %gather3A_187 = tpu.dynamic_gather %add3A_177[%gather3A_186] in [0] : vector<16xf32>, vector<16xi32> -> vector<16xf32>
    %add3A_188 = arith.addf %add3A_177, %gather3A_187 : vector<16xf32>
    %lt3A_189 = arith.constant 0 : i32
    %lt3A_190 = vector.broadcast %lt3A_189 : i32 to vector<16xi32>
    %lt3A_191 = arith.cmpi slt, %xor3A_8, %lt3A_190 : vector<16xi32>
    %add3A_192 = arith.constant 16 : i32
    %add3A_193 = vector.broadcast %add3A_192 : i32 to vector<16xi32>
    %add3A_194 = arith.addi %xor3A_8, %add3A_193 : vector<16xi32>
    %select_n3A_195 = arith.select %lt3A_191, %add3A_194, %xor3A_8 : vector<16xi1>, vector<16xi32>
    %broadcast_in_dim3A_196 = vector.shape_cast %select_n3A_195 : vector<16xi32> to vector<16x1xi32>
    %gather3A_197 = vector.shape_cast %broadcast_in_dim3A_196 : vector<16x1xi32> to vector<16xi32>
    %gather3A_198 = tpu.dynamic_gather %add3A_188[%gather3A_197] in [0] : vector<16xf32>, vector<16xi32> -> vector<16xf32>
    %add3A_199 = arith.addf %add3A_188, %gather3A_198 : vector<16xf32>
    %lt3A_200 = arith.constant 0 : i32
    %lt3A_201 = vector.broadcast %lt3A_200 : i32 to vector<16xi32>
    %lt3A_202 = arith.cmpi slt, %xor3A_11, %lt3A_201 : vector<16xi32>
    %add3A_203 = arith.constant 16 : i32
    %add3A_204 = vector.broadcast %add3A_203 : i32 to vector<16xi32>
    %add3A_205 = arith.addi %xor3A_11, %add3A_204 : vector<16xi32>
    %select_n3A_206 = arith.select %lt3A_202, %add3A_205, %xor3A_11 : vector<16xi1>, vector<16xi32>
    %broadcast_in_dim3A_207 = vector.shape_cast %select_n3A_206 : vector<16xi32> to vector<16x1xi32>
    %gather3A_208 = vector.shape_cast %broadcast_in_dim3A_207 : vector<16x1xi32> to vector<16xi32>
    %gather3A_209 = tpu.dynamic_gather %add3A_199[%gather3A_208] in [0] : vector<16xf32>, vector<16xi32> -> vector<16xf32>
    %add3A_210 = arith.addf %add3A_199, %gather3A_209 : vector<16xf32>
    %select_n3A_211 = arith.select %eq3A_166, %add3A_210, %select_n3A_163 : vector<16xi1>, vector<16xf32>
    %eq3A_212 = arith.constant 4 : i32
    %eq3A_213 = vector.broadcast %eq3A_212 : i32 to vector<16xi32>
    %eq3A_214 = arith.cmpi eq, %iota3A, %eq3A_213 : vector<16xi32>
    %lt3A_215 = arith.constant 0 : i32
    %lt3A_216 = vector.broadcast %lt3A_215 : i32 to vector<16xi32>
    %lt3A_217 = arith.cmpi slt, %xor3A_2, %lt3A_216 : vector<16xi32>
    %add3A_218 = arith.constant 16 : i32
    %add3A_219 = vector.broadcast %add3A_218 : i32 to vector<16xi32>
    %add3A_220 = arith.addi %xor3A_2, %add3A_219 : vector<16xi32>
    %select_n3A_221 = arith.select %lt3A_217, %add3A_220, %xor3A_2 : vector<16xi1>, vector<16xi32>
    %broadcast_in_dim3A_222 = vector.shape_cast %select_n3A_221 : vector<16xi32> to vector<16x1xi32>
    %gather3A_223 = vector.shape_cast %broadcast_in_dim3A_222 : vector<16x1xi32> to vector<16xi32>
    %gather3A_224 = tpu.dynamic_gather %scan3A_20#4[%gather3A_223] in [0] : vector<16xf32>, vector<16xi32> -> vector<16xf32>
    %add3A_225 = arith.addf %scan3A_20#4, %gather3A_224 : vector<16xf32>
    %lt3A_226 = arith.constant 0 : i32
    %lt3A_227 = vector.broadcast %lt3A_226 : i32 to vector<16xi32>
    %lt3A_228 = arith.cmpi slt, %xor3A_5, %lt3A_227 : vector<16xi32>
    %add3A_229 = arith.constant 16 : i32
    %add3A_230 = vector.broadcast %add3A_229 : i32 to vector<16xi32>
    %add3A_231 = arith.addi %xor3A_5, %add3A_230 : vector<16xi32>
    %select_n3A_232 = arith.select %lt3A_228, %add3A_231, %xor3A_5 : vector<16xi1>, vector<16xi32>
    %broadcast_in_dim3A_233 = vector.shape_cast %select_n3A_232 : vector<16xi32> to vector<16x1xi32>
    %gather3A_234 = vector.shape_cast %broadcast_in_dim3A_233 : vector<16x1xi32> to vector<16xi32>
    %gather3A_235 = tpu.dynamic_gather %add3A_225[%gather3A_234] in [0] : vector<16xf32>, vector<16xi32> -> vector<16xf32>
    %add3A_236 = arith.addf %add3A_225, %gather3A_235 : vector<16xf32>
    %lt3A_237 = arith.constant 0 : i32
    %lt3A_238 = vector.broadcast %lt3A_237 : i32 to vector<16xi32>
    %lt3A_239 = arith.cmpi slt, %xor3A_8, %lt3A_238 : vector<16xi32>
    %add3A_240 = arith.constant 16 : i32
    %add3A_241 = vector.broadcast %add3A_240 : i32 to vector<16xi32>
    %add3A_242 = arith.addi %xor3A_8, %add3A_241 : vector<16xi32>
    %select_n3A_243 = arith.select %lt3A_239, %add3A_242, %xor3A_8 : vector<16xi1>, vector<16xi32>
    %broadcast_in_dim3A_244 = vector.shape_cast %select_n3A_243 : vector<16xi32> to vector<16x1xi32>
    %gather3A_245 = vector.shape_cast %broadcast_in_dim3A_244 : vector<16x1xi32> to vector<16xi32>
    %gather3A_246 = tpu.dynamic_gather %add3A_236[%gather3A_245] in [0] : vector<16xf32>, vector<16xi32> -> vector<16xf32>
    %add3A_247 = arith.addf %add3A_236, %gather3A_246 : vector<16xf32>
    %lt3A_248 = arith.constant 0 : i32
    %lt3A_249 = vector.broadcast %lt3A_248 : i32 to vector<16xi32>
    %lt3A_250 = arith.cmpi slt, %xor3A_11, %lt3A_249 : vector<16xi32>
    %add3A_251 = arith.constant 16 : i32
    %add3A_252 = vector.broadcast %add3A_251 : i32 to vector<16xi32>
    %add3A_253 = arith.addi %xor3A_11, %add3A_252 : vector<16xi32>
    %select_n3A_254 = arith.select %lt3A_250, %add3A_253, %xor3A_11 : vector<16xi1>, vector<16xi32>
    %broadcast_in_dim3A_255 = vector.shape_cast %select_n3A_254 : vector<16xi32> to vector<16x1xi32>
    %gather3A_256 = vector.shape_cast %broadcast_in_dim3A_255 : vector<16x1xi32> to vector<16xi32>
    %gather3A_257 = tpu.dynamic_gather %add3A_247[%gather3A_256] in [0] : vector<16xf32>, vector<16xi32> -> vector<16xf32>
    %add3A_258 = arith.addf %add3A_247, %gather3A_257 : vector<16xf32>
    %select_n3A_259 = arith.select %eq3A_214, %add3A_258, %select_n3A_211 : vector<16xi1>, vector<16xf32>
    %eq3A_260 = arith.constant 5 : i32
    %eq3A_261 = vector.broadcast %eq3A_260 : i32 to vector<16xi32>
    %eq3A_262 = arith.cmpi eq, %iota3A, %eq3A_261 : vector<16xi32>
    %lt3A_263 = arith.constant 0 : i32
    %lt3A_264 = vector.broadcast %lt3A_263 : i32 to vector<16xi32>
    %lt3A_265 = arith.cmpi slt, %xor3A_2, %lt3A_264 : vector<16xi32>
    %add3A_266 = arith.constant 16 : i32
    %add3A_267 = vector.broadcast %add3A_266 : i32 to vector<16xi32>
    %add3A_268 = arith.addi %xor3A_2, %add3A_267 : vector<16xi32>
    %select_n3A_269 = arith.select %lt3A_265, %add3A_268, %xor3A_2 : vector<16xi1>, vector<16xi32>
    %broadcast_in_dim3A_270 = vector.shape_cast %select_n3A_269 : vector<16xi32> to vector<16x1xi32>
    %gather3A_271 = vector.shape_cast %broadcast_in_dim3A_270 : vector<16x1xi32> to vector<16xi32>
    %gather3A_272 = tpu.dynamic_gather %scan3A_20#5[%gather3A_271] in [0] : vector<16xf32>, vector<16xi32> -> vector<16xf32>
    %add3A_273 = arith.addf %scan3A_20#5, %gather3A_272 : vector<16xf32>
    %lt3A_274 = arith.constant 0 : i32
    %lt3A_275 = vector.broadcast %lt3A_274 : i32 to vector<16xi32>
    %lt3A_276 = arith.cmpi slt, %xor3A_5, %lt3A_275 : vector<16xi32>
    %add3A_277 = arith.constant 16 : i32
    %add3A_278 = vector.broadcast %add3A_277 : i32 to vector<16xi32>
    %add3A_279 = arith.addi %xor3A_5, %add3A_278 : vector<16xi32>
    %select_n3A_280 = arith.select %lt3A_276, %add3A_279, %xor3A_5 : vector<16xi1>, vector<16xi32>
    %broadcast_in_dim3A_281 = vector.shape_cast %select_n3A_280 : vector<16xi32> to vector<16x1xi32>
    %gather3A_282 = vector.shape_cast %broadcast_in_dim3A_281 : vector<16x1xi32> to vector<16xi32>
    %gather3A_283 = tpu.dynamic_gather %add3A_273[%gather3A_282] in [0] : vector<16xf32>, vector<16xi32> -> vector<16xf32>
    %add3A_284 = arith.addf %add3A_273, %gather3A_283 : vector<16xf32>
    %lt3A_285 = arith.constant 0 : i32
    %lt3A_286 = vector.broadcast %lt3A_285 : i32 to vector<16xi32>
    %lt3A_287 = arith.cmpi slt, %xor3A_8, %lt3A_286 : vector<16xi32>
    %add3A_288 = arith.constant 16 : i32
    %add3A_289 = vector.broadcast %add3A_288 : i32 to vector<16xi32>
    %add3A_290 = arith.addi %xor3A_8, %add3A_289 : vector<16xi32>
    %select_n3A_291 = arith.select %lt3A_287, %add3A_290, %xor3A_8 : vector<16xi1>, vector<16xi32>
    %broadcast_in_dim3A_292 = vector.shape_cast %select_n3A_291 : vector<16xi32> to vector<16x1xi32>
    %gather3A_293 = vector.shape_cast %broadcast_in_dim3A_292 : vector<16x1xi32> to vector<16xi32>
    %gather3A_294 = tpu.dynamic_gather %add3A_284[%gather3A_293] in [0] : vector<16xf32>, vector<16xi32> -> vector<16xf32>
    %add3A_295 = arith.addf %add3A_284, %gather3A_294 : vector<16xf32>
    %lt3A_296 = arith.constant 0 : i32
    %lt3A_297 = vector.broadcast %lt3A_296 : i32 to vector<16xi32>
    %lt3A_298 = arith.cmpi slt, %xor3A_11, %lt3A_297 : vector<16xi32>
    %add3A_299 = arith.constant 16 : i32
    %add3A_300 = vector.broadcast %add3A_299 : i32 to vector<16xi32>
    %add3A_301 = arith.addi %xor3A_11, %add3A_300 : vector<16xi32>
    %select_n3A_302 = arith.select %lt3A_298, %add3A_301, %xor3A_11 : vector<16xi1>, vector<16xi32>
    %broadcast_in_dim3A_303 = vector.shape_cast %select_n3A_302 : vector<16xi32> to vector<16x1xi32>
    %gather3A_304 = vector.shape_cast %broadcast_in_dim3A_303 : vector<16x1xi32> to vector<16xi32>
    %gather3A_305 = tpu.dynamic_gather %add3A_295[%gather3A_304] in [0] : vector<16xf32>, vector<16xi32> -> vector<16xf32>
    %add3A_306 = arith.addf %add3A_295, %gather3A_305 : vector<16xf32>
    %select_n3A_307 = arith.select %eq3A_262, %add3A_306, %select_n3A_259 : vector<16xi1>, vector<16xf32>
    %eq3A_308 = arith.constant 6 : i32
    %eq3A_309 = vector.broadcast %eq3A_308 : i32 to vector<16xi32>
    %eq3A_310 = arith.cmpi eq, %iota3A, %eq3A_309 : vector<16xi32>
    %lt3A_311 = arith.constant 0 : i32
    %lt3A_312 = vector.broadcast %lt3A_311 : i32 to vector<16xi32>
    %lt3A_313 = arith.cmpi slt, %xor3A_2, %lt3A_312 : vector<16xi32>
    %add3A_314 = arith.constant 16 : i32
    %add3A_315 = vector.broadcast %add3A_314 : i32 to vector<16xi32>
    %add3A_316 = arith.addi %xor3A_2, %add3A_315 : vector<16xi32>
    %select_n3A_317 = arith.select %lt3A_313, %add3A_316, %xor3A_2 : vector<16xi1>, vector<16xi32>
    %broadcast_in_dim3A_318 = vector.shape_cast %select_n3A_317 : vector<16xi32> to vector<16x1xi32>
    %gather3A_319 = vector.shape_cast %broadcast_in_dim3A_318 : vector<16x1xi32> to vector<16xi32>
    %gather3A_320 = tpu.dynamic_gather %scan3A_20#6[%gather3A_319] in [0] : vector<16xf32>, vector<16xi32> -> vector<16xf32>
    %add3A_321 = arith.addf %scan3A_20#6, %gather3A_320 : vector<16xf32>
    %lt3A_322 = arith.constant 0 : i32
    %lt3A_323 = vector.broadcast %lt3A_322 : i32 to vector<16xi32>
    %lt3A_324 = arith.cmpi slt, %xor3A_5, %lt3A_323 : vector<16xi32>
    %add3A_325 = arith.constant 16 : i32
    %add3A_326 = vector.broadcast %add3A_325 : i32 to vector<16xi32>
    %add3A_327 = arith.addi %xor3A_5, %add3A_326 : vector<16xi32>
    %select_n3A_328 = arith.select %lt3A_324, %add3A_327, %xor3A_5 : vector<16xi1>, vector<16xi32>
    %broadcast_in_dim3A_329 = vector.shape_cast %select_n3A_328 : vector<16xi32> to vector<16x1xi32>
    %gather3A_330 = vector.shape_cast %broadcast_in_dim3A_329 : vector<16x1xi32> to vector<16xi32>
    %gather3A_331 = tpu.dynamic_gather %add3A_321[%gather3A_330] in [0] : vector<16xf32>, vector<16xi32> -> vector<16xf32>
    %add3A_332 = arith.addf %add3A_321, %gather3A_331 : vector<16xf32>
    %lt3A_333 = arith.constant 0 : i32
    %lt3A_334 = vector.broadcast %lt3A_333 : i32 to vector<16xi32>
    %lt3A_335 = arith.cmpi slt, %xor3A_8, %lt3A_334 : vector<16xi32>
    %add3A_336 = arith.constant 16 : i32
    %add3A_337 = vector.broadcast %add3A_336 : i32 to vector<16xi32>
    %add3A_338 = arith.addi %xor3A_8, %add3A_337 : vector<16xi32>
    %select_n3A_339 = arith.select %lt3A_335, %add3A_338, %xor3A_8 : vector<16xi1>, vector<16xi32>
    %broadcast_in_dim3A_340 = vector.shape_cast %select_n3A_339 : vector<16xi32> to vector<16x1xi32>
    %gather3A_341 = vector.shape_cast %broadcast_in_dim3A_340 : vector<16x1xi32> to vector<16xi32>
    %gather3A_342 = tpu.dynamic_gather %add3A_332[%gather3A_341] in [0] : vector<16xf32>, vector<16xi32> -> vector<16xf32>
    %add3A_343 = arith.addf %add3A_332, %gather3A_342 : vector<16xf32>
    %lt3A_344 = arith.constant 0 : i32
    %lt3A_345 = vector.broadcast %lt3A_344 : i32 to vector<16xi32>
    %lt3A_346 = arith.cmpi slt, %xor3A_11, %lt3A_345 : vector<16xi32>
    %add3A_347 = arith.constant 16 : i32
    %add3A_348 = vector.broadcast %add3A_347 : i32 to vector<16xi32>
    %add3A_349 = arith.addi %xor3A_11, %add3A_348 : vector<16xi32>
    %select_n3A_350 = arith.select %lt3A_346, %add3A_349, %xor3A_11 : vector<16xi1>, vector<16xi32>
    %broadcast_in_dim3A_351 = vector.shape_cast %select_n3A_350 : vector<16xi32> to vector<16x1xi32>
    %gather3A_352 = vector.shape_cast %broadcast_in_dim3A_351 : vector<16x1xi32> to vector<16xi32>
    %gather3A_353 = tpu.dynamic_gather %add3A_343[%gather3A_352] in [0] : vector<16xf32>, vector<16xi32> -> vector<16xf32>
    %add3A_354 = arith.addf %add3A_343, %gather3A_353 : vector<16xf32>
    %select_n3A_355 = arith.select %eq3A_310, %add3A_354, %select_n3A_307 : vector<16xi1>, vector<16xf32>
    %eq3A_356 = arith.constant 7 : i32
    %eq3A_357 = vector.broadcast %eq3A_356 : i32 to vector<16xi32>
    %eq3A_358 = arith.cmpi eq, %iota3A, %eq3A_357 : vector<16xi32>
    %lt3A_359 = arith.constant 0 : i32
    %lt3A_360 = vector.broadcast %lt3A_359 : i32 to vector<16xi32>
    %lt3A_361 = arith.cmpi slt, %xor3A_2, %lt3A_360 : vector<16xi32>
    %add3A_362 = arith.constant 16 : i32
    %add3A_363 = vector.broadcast %add3A_362 : i32 to vector<16xi32>
    %add3A_364 = arith.addi %xor3A_2, %add3A_363 : vector<16xi32>
    %select_n3A_365 = arith.select %lt3A_361, %add3A_364, %xor3A_2 : vector<16xi1>, vector<16xi32>
    %broadcast_in_dim3A_366 = vector.shape_cast %select_n3A_365 : vector<16xi32> to vector<16x1xi32>
    %gather3A_367 = vector.shape_cast %broadcast_in_dim3A_366 : vector<16x1xi32> to vector<16xi32>
    %gather3A_368 = tpu.dynamic_gather %scan3A_20#7[%gather3A_367] in [0] : vector<16xf32>, vector<16xi32> -> vector<16xf32>
    %add3A_369 = arith.addf %scan3A_20#7, %gather3A_368 : vector<16xf32>
    %lt3A_370 = arith.constant 0 : i32
    %lt3A_371 = vector.broadcast %lt3A_370 : i32 to vector<16xi32>
    %lt3A_372 = arith.cmpi slt, %xor3A_5, %lt3A_371 : vector<16xi32>
    %add3A_373 = arith.constant 16 : i32
    %add3A_374 = vector.broadcast %add3A_373 : i32 to vector<16xi32>
    %add3A_375 = arith.addi %xor3A_5, %add3A_374 : vector<16xi32>
    %select_n3A_376 = arith.select %lt3A_372, %add3A_375, %xor3A_5 : vector<16xi1>, vector<16xi32>
    %broadcast_in_dim3A_377 = vector.shape_cast %select_n3A_376 : vector<16xi32> to vector<16x1xi32>
    %gather3A_378 = vector.shape_cast %broadcast_in_dim3A_377 : vector<16x1xi32> to vector<16xi32>
    %gather3A_379 = tpu.dynamic_gather %add3A_369[%gather3A_378] in [0] : vector<16xf32>, vector<16xi32> -> vector<16xf32>
    %add3A_380 = arith.addf %add3A_369, %gather3A_379 : vector<16xf32>
    %lt3A_381 = arith.constant 0 : i32
    %lt3A_382 = vector.broadcast %lt3A_381 : i32 to vector<16xi32>
    %lt3A_383 = arith.cmpi slt, %xor3A_8, %lt3A_382 : vector<16xi32>
    %add3A_384 = arith.constant 16 : i32
    %add3A_385 = vector.broadcast %add3A_384 : i32 to vector<16xi32>
    %add3A_386 = arith.addi %xor3A_8, %add3A_385 : vector<16xi32>
    %select_n3A_387 = arith.select %lt3A_383, %add3A_386, %xor3A_8 : vector<16xi1>, vector<16xi32>
    %broadcast_in_dim3A_388 = vector.shape_cast %select_n3A_387 : vector<16xi32> to vector<16x1xi32>
    %gather3A_389 = vector.shape_cast %broadcast_in_dim3A_388 : vector<16x1xi32> to vector<16xi32>
    %gather3A_390 = tpu.dynamic_gather %add3A_380[%gather3A_389] in [0] : vector<16xf32>, vector<16xi32> -> vector<16xf32>
    %add3A_391 = arith.addf %add3A_380, %gather3A_390 : vector<16xf32>
    %lt3A_392 = arith.constant 0 : i32
    %lt3A_393 = vector.broadcast %lt3A_392 : i32 to vector<16xi32>
    %lt3A_394 = arith.cmpi slt, %xor3A_11, %lt3A_393 : vector<16xi32>
    %add3A_395 = arith.constant 16 : i32
    %add3A_396 = vector.broadcast %add3A_395 : i32 to vector<16xi32>
    %add3A_397 = arith.addi %xor3A_11, %add3A_396 : vector<16xi32>
    %select_n3A_398 = arith.select %lt3A_394, %add3A_397, %xor3A_11 : vector<16xi1>, vector<16xi32>
    %broadcast_in_dim3A_399 = vector.shape_cast %select_n3A_398 : vector<16xi32> to vector<16x1xi32>
    %gather3A_400 = vector.shape_cast %broadcast_in_dim3A_399 : vector<16x1xi32> to vector<16xi32>
    %gather3A_401 = tpu.dynamic_gather %add3A_391[%gather3A_400] in [0] : vector<16xf32>, vector<16xi32> -> vector<16xf32>
    %add3A_402 = arith.addf %add3A_391, %gather3A_401 : vector<16xf32>
    %select_n3A_403 = arith.select %eq3A_358, %add3A_402, %select_n3A_355 : vector<16xi1>, vector<16xf32>
    %swap3A = arith.constant 0 : index
    %swap3A_404 = tpu.vector_load %arg5[%swap3A] {strides = array<i32>} : memref<16xf32, #tpu.memory_space<vmem>>, vector<16xf32>,
    %swap3A_405 = vector.shape_cast %swap3A_404 : vector<16xf32> to vector<16xf32>
    %swap3A_406 = vector.shape_cast %select_n3A_403 : vector<16xf32> to vector<16xf32>
    tpu.vector_store %arg5[%swap3A], %swap3A_406 {strides = array<i32>} : memref<16xf32, #tpu.memory_space<vmem>>, vector<16xf32>,
    "tpu.region"() ({
      %run_scoped3A = tpu.sem_alloc : memref<!tpu.dma_semaphore, #tpu.memory_space<semaphore_mem>>
      %dma_start3A_407 = arith.constant 0 : i32
      %dma_start3A_408 = tpu.memref_slice %arg3[%add3A, %dma_start3A_407] : memref<32x16xf32, #tpu.memory_space<hbm>> -> memref<1x16xf32, #tpu.memory_space<hbm>>
      %dma_start3A_409 = tpu.memref_squeeze %dma_start3A_408 : memref<1x16xf32, #tpu.memory_space<hbm>> -> memref<16xf32, #tpu.memory_space<hbm>>
      %dma_start3A_410 = arith.constant 0 : i32
      %dma_start3A_411 = tpu.memref_slice %arg3[%add3A, %dma_start3A_410] : memref<32x16xf32, #tpu.memory_space<hbm>> -> memref<1x16xf32, #tpu.memory_space<hbm>>
      %dma_start3A_412 = tpu.memref_squeeze %dma_start3A_411 : memref<1x16xf32, #tpu.memory_space<hbm>> -> memref<16xf32, #tpu.memory_space<hbm>>
      tpu.enqueue_dma source(%arg5 : memref<16xf32, #tpu.memory_space<vmem>>) target(%dma_start3A_412 : memref<16xf32, #tpu.memory_space<hbm>>) target_semaphore(%run_scoped3A : memref<!tpu.dma_semaphore, #tpu.memory_space<semaphore_mem>>)
      %dma_wait3A_413 = arith.constant 0 : i32
      %dma_wait3A_414 = tpu.memref_slice %arg3[%add3A, %dma_wait3A_413] : memref<32x16xf32, #tpu.memory_space<hbm>> -> memref<1x16xf32, #tpu.memory_space<hbm>>
      %dma_wait3A_415 = tpu.memref_squeeze %dma_wait3A_414 : memref<1x16xf32, #tpu.memory_space<hbm>> -> memref<16xf32, #tpu.memory_space<hbm>>
      %dma_wait3A_416 = arith.constant 0 : i32
      %dma_wait3A_417 = tpu.memref_slice %arg3[%add3A, %dma_wait3A_416] : memref<32x16xf32, #tpu.memory_space<hbm>> -> memref<1x16xf32, #tpu.memory_space<hbm>>
      %dma_wait3A_418 = tpu.memref_squeeze %dma_wait3A_417 : memref<1x16xf32, #tpu.memory_space<hbm>> -> memref<16xf32, #tpu.memory_space<hbm>>
      tpu.wait_dma2 semaphore(%run_scoped3A : memref<!tpu.dma_semaphore, #tpu.memory_space<semaphore_mem>>) src(%arg5 : memref<16xf32, #tpu.memory_space<vmem>>) dst(%dma_wait3A_418 : memref<16xf32, #tpu.memory_space<hbm>>)
      tpu.yield
    }) : () -> ()
    return
  }
}

module attributes {stable_mosaic.version = 14 : i64} {
  func.func @_tc_body(%arg0: i32, %arg1: memref<4096x768xf32, #tpu.memory_space<vmem>>, %arg2: memref<8x768xf32, #tpu.memory_space<vmem>>, %arg3: memref<1x8xf32, #tpu.memory_space<vmem>>, %arg4: memref<4096x1xi32, #tpu.memory_space<vmem>>, %arg5: memref<4096x1xf32, #tpu.memory_space<vmem>>) attributes {dimension_semantics = [#tpu.dimension_semantics<arbitrary>], iteration_bounds = array<i64: 8>, scalar_prefetch = 0 : i64, scratch_operands = 0 : i64, tpu.core_type = #tpu.core_type<tc>, window_params = [{transform_indices = @transform_0, window_bounds = array<i64: 4096, 768>}, {pipeline_mode = #tpu.pipeline_mode<synchronous>, transform_indices = @transform_1, window_bounds = array<i64: 8, 768>}, {pipeline_mode = #tpu.pipeline_mode<synchronous>, transform_indices = @transform_2, window_bounds = array<i64: 1, 8>}, {transform_indices = @transform_3, window_bounds = array<i64: 4096, 1>}, {transform_indices = @transform_4, window_bounds = array<i64: 4096, 1>}]} {
    %get3A = arith.constant 0 : index
    %get3A_0 = arith.constant 0 : index
    %get3A_1 = vector.load %arg1[%get3A, %get3A_0] : memref<4096x768xf32, #tpu.memory_space<vmem>>, vector<4096x768xf32>
    %get3A_2 = arith.constant 0 : index
    %get3A_3 = arith.constant 0 : index
    %get3A_4 = vector.load %arg2[%get3A_2, %get3A_3] : memref<8x768xf32, #tpu.memory_space<vmem>>, vector<8x768xf32>
    %get3A_5 = arith.constant 0 : index
    %get3A_6 = arith.constant 0 : index
    %get3A_7 = vector.load %arg3[%get3A_5, %get3A_6] : memref<1x8xf32, #tpu.memory_space<vmem>>, vector<1x8xf32>
    %dot_general3A = arith.constant dense<0.000000e+00> : vector<4096x8xf32>
    %dot_general3A_8 = tpu.matmul %get3A_1, %get3A_4, %dot_general3A {dimension_numbers = #tpu.dot_dimension_numbers<[1], [1], [0], [0], [0, 0, 1, 0], [], []>, transpose_lhs_hint = false} : vector<4096x768xf32>, vector<8x768xf32>, vector<4096x8xf32> -> vector<4096x8xf32>
    %add3A = vector.broadcast %get3A_7 : vector<1x8xf32> to vector<4096x8xf32>
    %add3A_9 = arith.addf %dot_general3A_8, %add3A : vector<4096x8xf32>
    %reduce_max3A = arith.constant dense<0xFF800000> : vector<4096xf32>
    %reduce_max3A_10 = vector.multi_reduction <maximumf>, %add3A_9, %reduce_max3A [1] : vector<4096x8xf32> to vector<4096xf32>
    %broadcast_in_dim3A = vector.shape_cast %reduce_max3A_10 : vector<4096xf32> to vector<4096x1xf32>
    %sub3A = vector.broadcast %broadcast_in_dim3A : vector<4096x1xf32> to vector<4096x8xf32>
    %sub3A_11 = arith.subf %add3A_9, %sub3A : vector<4096x8xf32>
    %exp3A = math.exp %sub3A_11 : vector<4096x8xf32>
    %reduce_sum3A = arith.constant dense<0.000000e+00> : vector<4096xf32>
    %reduce_sum3A_12 = vector.multi_reduction <add>, %exp3A, %reduce_sum3A [1] : vector<4096x8xf32> to vector<4096xf32>
    %broadcast_in_dim3A_13 = vector.shape_cast %reduce_sum3A_12 : vector<4096xf32> to vector<4096x1xf32>
    %div3A = vector.broadcast %broadcast_in_dim3A_13 : vector<4096x1xf32> to vector<4096x8xf32>
    %div3A_14 = arith.divf %exp3A, %div3A : vector<4096x8xf32>
    %reduce_max3A_15 = arith.constant dense<0xFF800000> : vector<4096xf32>
    %reduce_max3A_16 = vector.multi_reduction <maximumf>, %div3A_14, %reduce_max3A_15 [1] : vector<4096x8xf32> to vector<4096xf32>
    %broadcast_in_dim3A_17 = vector.shape_cast %reduce_max3A_16 : vector<4096xf32> to vector<4096x1xf32>
    %iota3A = tpu.iota {dimensions = array<i32: 1>} : vector<4096x8xi32>
    %eq3A = vector.broadcast %broadcast_in_dim3A_17 : vector<4096x1xf32> to vector<4096x8xf32>
    %eq3A_18 = arith.cmpf oeq, %div3A_14, %eq3A : vector<4096x8xf32>
    %jit3A = arith.constant 8 : i32
    %broadcast_in_dim3A_19 = vector.broadcast %jit3A : i32 to vector<4096x8xi32>
    %select_n3A = arith.select %eq3A_18, %iota3A, %broadcast_in_dim3A_19 : vector<4096x8xi1>, vector<4096x8xi32>
    %reduce_min3A = arith.constant dense<2147483647> : vector<4096xi32>
    %reduce_min3A_20 = vector.multi_reduction <minsi>, %select_n3A, %reduce_min3A [1] : vector<4096x8xi32> to vector<4096xi32>
    %broadcast_in_dim3A_21 = vector.shape_cast %reduce_min3A_20 : vector<4096xi32> to vector<4096x1xi32>
    %swap3A = arith.constant 0 : index
    %swap3A_22 = arith.constant 0 : index
    %swap3A_23 = vector.load %arg4[%swap3A, %swap3A_22] : memref<4096x1xi32, #tpu.memory_space<vmem>>, vector<4096x1xi32>
    tpu.vector_store %arg4[%swap3A, %swap3A_22], %broadcast_in_dim3A_21 {strides = array<i32>} : memref<4096x1xi32, #tpu.memory_space<vmem>>, vector<4096x1xi32>,
    %swap3A_24 = arith.constant 0 : index
    %swap3A_25 = arith.constant 0 : index
    %swap3A_26 = vector.load %arg5[%swap3A_24, %swap3A_25] : memref<4096x1xf32, #tpu.memory_space<vmem>>, vector<4096x1xf32>
    tpu.vector_store %arg5[%swap3A_24, %swap3A_25], %broadcast_in_dim3A_17 {strides = array<i32>} : memref<4096x1xf32, #tpu.memory_space<vmem>>, vector<4096x1xf32>,
    return
  }
  func.func @transform_0(%arg0: i32) -> (i32, i32) {
    %c0_i32 = arith.constant 0 : i32
    %c0_i32_0 = arith.constant 0 : i32
    return %arg0, %c0_i32 : i32, i32
  }
  func.func @transform_1(%arg0: i32) -> (i32, i32) {
    %c0_i32 = arith.constant 0 : i32
    %c0_i32_0 = arith.constant 0 : i32
    %c0_i32_1 = arith.constant 0 : i32
    return %c0_i32, %c0_i32_0 : i32, i32
  }
  func.func @transform_2(%arg0: i32) -> (i32, i32) {
    %c0_i32 = arith.constant 0 : i32
    %c0_i32_0 = arith.constant 0 : i32
    %c0_i32_1 = arith.constant 0 : i32
    return %c0_i32, %c0_i32_0 : i32, i32
  }
  func.func @transform_3(%arg0: i32) -> (i32, i32) {
    %c0_i32 = arith.constant 0 : i32
    %c0_i32_0 = arith.constant 0 : i32
    return %arg0, %c0_i32 : i32, i32
  }
  func.func @transform_4(%arg0: i32) -> (i32, i32) {
    %c0_i32 = arith.constant 0 : i32
    %c0_i32_0 = arith.constant 0 : i32
    return %arg0, %c0_i32 : i32, i32
  }
}

module attributes {stable_mosaic.version = 14 : i64} {
  func.func @_psum_body(%arg0: memref<32x16xf32, #tpu.memory_space<vmem>>, %arg1: memref<1x8xf32, #tpu.memory_space<vmem>>) attributes {dimension_semantics = [], scalar_prefetch = 0 : i64, scratch_operands = 0 : i64, tpu.core_type = #tpu.core_type<tc>} {
    %get3A = arith.constant 0 : index
    %get3A_0 = arith.constant 0 : index
    %get3A_1 = vector.load %arg0[%get3A, %get3A_0] : memref<32x16xf32, #tpu.memory_space<vmem>>, vector<32x16xf32>
    %reduce_sum3A = arith.constant dense<0.000000e+00> : vector<16xf32>
    %reduce_sum3A_2 = vector.multi_reduction <add>, %get3A_1, %reduce_sum3A [0] : vector<32x16xf32> to vector<16xf32>
    %broadcast_in_dim3A = vector.shape_cast %reduce_sum3A_2 : vector<16xf32> to vector<1x16xf32>
    %slice3A = vector.extract_strided_slice %broadcast_in_dim3A {offsets = [0, 0], sizes = [1, 8], strides = [1, 1]} : vector<1x16xf32> to vector<1x8xf32>
    %swap3A = arith.constant 0 : index
    %swap3A_3 = arith.constant 0 : index
    %swap3A_4 = vector.load %arg1[%swap3A, %swap3A_3] : memref<1x8xf32, #tpu.memory_space<vmem>>, vector<1x8xf32>
    tpu.vector_store %arg1[%swap3A, %swap3A_3], %slice3A {strides = array<i32>} : memref<1x8xf32, #tpu.memory_space<vmem>>, vector<1x8xf32>,
    return
  }
}

</mosaic_0001>

<sc_bundles>
// kernel: kernel.5.cloned.1.call-start
scs
__scs_entry_jumppad:
0x0: {  	(pc) =	sbr.rel $0x88, $3  }
0x1: {  	(tag) =	ssettag $0x0;
	lr =	simm.s32 $0x1  }
0x2: {  	[smem:$0x3F9E] =	sst lr;
	_ =	strace $0xD0000000  }
0x3: {  	_ = 	snop  }
0x4: {  	_ = 	snop  }
0x5: {  	_ = 	snop  }
0x6: {  	_ = 	snop  }
0x7: {  	_ = 	snop  }
__scs_overlays_trampoline_lowered:
0x8: {  	[smem:$0x3FAD] =	sst s0  }
0x9: {  	[smem:$0x3FAE] =	sst s1  }
0xa: {  	[smem:$0x3FAF] =	sst s2  }
0xb: {  	[smem:$0x3FB0] =	sst s3  }
0xc: {  	[smem:$0x3FB1] =	sst s4  }
0xd: {  	[smem:$0x3FB2] =	sst s5  }
0xe: {  	[smem:$0x3FB3] =	sst s6  }
0xf: {  	[smem:$0x3FB4] =	sst s7  }
0x10: {  	[smem:$0x3FB5] =	sst s8  }
0x11: {  	[smem:$0x3FB6] =	sst s9;
	s0 =	simm.s32 @!p0 $0x0  }
0x12: {  	s1 =	sld [smem:$0x3F9C];
	s0 =	simm.s32 @p0 $0x1  }
0x13: {  	[smem:$0x3FB7] =	sst s0;
	s0 =	simm.s32 @!p1 $0x0  }
0x14: {  	s2 =	sld [smem:$0x3F9B];
	s0 =	simm.s32 @p1 $0x1  }
0x15: {  	[smem:$0x3FB8] =	sst s0;
	s0 =	simm.s32 @!p2 $0x0  }
0x16: {  	s3 =	sld [smem:$0x3FDB];
	s0 =	simm.s32 @p2 $0x1  }
0x17: {  	s4 =	simm.s32 $0x1BF5;
	[smem:$0x3FBA] =	sst s0  }
0x18: {  	s0 =	sld [smem:$0x3F9D];
	_ =	swait.ge [sflag:s4], $0x0  }
0x19: {  	s7 =	sld [smem:$0x3F9E]  }
0x1a: {  	s8 =	sadd.s32 $0xFFFFE003, lr  }
0x1b: {  	s9 =	sadd.s32 $0xFFFFFEF7, lr;
	s5 =	simm.s32 $0xFFFFFFFF;
	p2 =	slt.u32 s8, $0xFFFFF086  }
0x1c: {  	p1 =	slt.u32 s9, $0xF7A;
	s5 =	simm.s32 @!p2 $0x0  }
0x1d: {  	s5 =	simm.s32 @p1 $0x1;
	p0 =	seq.s32 s7, s2  }
0x1e: {  	s7 =	smul.u32 @!p0 $0xF7A, s2;
	p2 =	seq.s32 @!p0 s5, $0x0  }
0x1f: {  	s9 =	smul.u32 $0xF7A, s1;
	s8 =	simm.s32 @!p0 $0x1BF5;
	p2 =	por !p2, p0  }
0x20: {  	[sflag:s8] =	ssyncset.s32 @!p0 $0xFFFFF086;
	s6 =	sadd.s32 @!p0 s3, s7;
	s7 =	simm.s32 @!p0 $0x108  }
0x21: {  	s3 =	sadd.s32 s3, s9;
	s6 =	sadd.s32 @!p0 $0x88, s6;
	s7 =	simm.s32 @p2 $0x1082  }
0x22: {  	[simem:s7], [sflag:s8] =	dma.local @!p0 [hbm:s6], $0xF7A  }
0x23: {  	s9 =	sor.u32 $0xD0000000, s2;
	s6 =	simm.s32 $0x108;
	_ =	swait.ge @!p0 [sflag:s8], $0x0  }
0x24: {  	s3 =	sadd.s32 $0x88, s3;
	s6 =	simm.s32 @!p1 $0x1082;
	[sflag:s4] =	ssyncset.s32 $0xFFFFF086  }
0x25: {  	[simem:s6], [sflag:s4] =	dma.local [hbm:s3], $0xF7A  }
0x26: {  	[smem:$0x3F9E] =	sst s1;
	(tag) =	ssettag s2;
	_ =	strace s9  }
0x27: {  	s1 =	sld [smem:$0x3FAE]  }
0x28: {  	s2 =	sld [smem:$0x3FAF]  }
0x29: {  	s4 =	sld [smem:$0x3FB1]  }
0x2a: {  	p0 =	seq.s32 s5, $0x0;
	s5 =	sld [smem:$0x3FB2]  }
0x2b: {  	s6 =	sld [smem:$0x3FB3]  }
0x2c: {  	s7 =	sld [smem:$0x3FB4]  }
0x2d: {  	s3 =	simm.s32 $0x108;
	s8 =	sld [smem:$0x3FB5]  }
0x2e: {  	s3 =	simm.s32 @!p0 $0x1082;
	s9 =	sld [smem:$0x3FB6]  }
0x2f: {  	lr =	sadd.s32 s0, s3;
	s0 =	sld [smem:$0x3FAD]  }
0x30: {  	s3 =	sld [smem:$0x3FB0]  }
0x31: {  	[smem:$0x3FB9] =	sst s10  }
0x32: {  	s10 =	sld [smem:$0x3FB7];
	_ =	sdelay $0x3  }
0x33: {  	p0 =	seq.s32 s10, $0x1;
	s10 =	sld [smem:$0x3FB9];
	_ =	sdelay $0x3  }
0x34: {  	[smem:$0x3FB9] =	sst s10  }
0x35: {  	s10 =	sld [smem:$0x3FB8];
	_ =	sdelay $0x3  }
0x36: {  	p1 =	seq.s32 s10, $0x1;
	s10 =	sld [smem:$0x3FB9];
	_ =	sdelay $0x3  }
0x37: {  	[smem:$0x3FB9] =	sst s10  }
0x38: {  	s10 =	sld [smem:$0x3FBA]  }
0x39: {  	_ = 	snop;
	(pc) =	sbr.ind lr, $3  }
0x3a: {  	_ = 	snop  }
0x3b: {  	_ = 	snop  }
0x3c: {  	p2 =	seq.s32 s10, $0x1;
	s10 =	sld [smem:$0x3FB9]  }
0x3d: {  	_ =	shalt  }
0x3e: {  	_ =	shalt  }
0x3f: {  	_ =	shalt  }
0x40: {  	_ =	shalt  }
0x41: {  	_ =	shalt  }
0x42: {  	_ =	shalt  }
0x43: {  	_ =	shalt  }
0x44: {  	_ =	shalt  }
0x45: {  	_ =	shalt  }
0x46: {  	_ =	shalt  }
0x47: {  	_ =	shalt  }
0x48: {  	_ =	shalt  }
0x49: {  	_ =	shalt  }
0x4a: {  	_ =	shalt  }
0x4b: {  	_ =	shalt  }
0x4c: {  	_ =	shalt  }
0x4d: {  	_ =	shalt  }
0x4e: {  	_ =	shalt  }
0x4f: {  	_ =	shalt  }
0x50: {  	_ =	shalt  }
0x51: {  	_ =	shalt  }
0x52: {  	_ =	shalt  }
0x53: {  	_ =	shalt  }
0x54: {  	_ =	shalt  }
0x55: {  	_ =	shalt  }
0x56: {  	_ =	shalt  }
0x57: {  	_ =	shalt  }
0x58: {  	_ =	shalt  }
0x59: {  	_ =	shalt  }
0x5a: {  	_ =	shalt  }
0x5b: {  	_ =	shalt  }
0x5c: {  	_ =	shalt  }
0x5d: {  	_ =	shalt  }
0x5e: {  	_ =	shalt  }
0x5f: {  	_ =	shalt  }
0x60: {  	_ =	shalt  }
0x61: {  	_ =	shalt  }
0x62: {  	_ =	shalt  }
0x63: {  	_ =	shalt  }
0x64: {  	_ =	shalt  }
0x65: {  	_ =	shalt  }
0x66: {  	_ =	shalt  }
0x67: {  	_ =	shalt  }
0x68: {  	_ =	shalt  }
0x69: {  	_ =	shalt  }
0x6a: {  	_ =	shalt  }
0x6b: {  	_ =	shalt  }
0x6c: {  	_ =	shalt  }
0x6d: {  	_ =	shalt  }
0x6e: {  	_ =	shalt  }
0x6f: {  	_ =	shalt  }
0x70: {  	_ =	shalt  }
0x71: {  	_ =	shalt  }
0x72: {  	_ =	shalt  }
0x73: {  	_ =	shalt  }
0x74: {  	_ =	shalt  }
0x75: {  	_ =	shalt  }
0x76: {  	_ =	shalt  }
0x77: {  	_ =	shalt  }
0x78: {  	_ =	shalt  }
0x79: {  	_ =	shalt  }
0x7a: {  	_ =	shalt  }
0x7b: {  	_ =	shalt  }
0x7c: {  	_ =	shalt  }
0x7d: {  	_ =	shalt  }
0x7e: {  	_ =	shalt  }
0x7f: {  	_ =	shalt  }
0x80: {  	_ =	shalt  }
0x81: {  	_ =	shalt  }
0x82: {  	_ =	shalt  }
0x83: {  	_ =	shalt  }
0x84: {  	_ =	shalt  }
0x85: {  	_ =	shalt  }
0x86: {  	_ =	shalt  }
0x87: {  	_ =	shalt  }
.Lfunc_end0:
.L_simem_size_0:
called_computation_lowered:
.L_overlay_start_0:
0x88: {  	s2 =	sld [smem:$0x3FD9]  }
0x89: {  	s3 =	sld [smem:$0x3FFE];
	_ =	sdelay $0x1  }
0x8a: {  	s1 =	srdreg.scid  }
0x8b: {  	s0 =	sand.u32 $0x1, s1  }
0x8c: {  	s14 =	sshll.u32 s0, $0xA;
	s2 =	sadd.s32 s3, s2  }
0x8d: {  	s2 =	sadd.s32 s2, s14  }
0x8e: {  	[smem:$0x3FC5] =	sst s2  }
0x8f: {  	_ = 	snop  }
0x90: {  	s2 =	sld [smem:$0x3FD0];
	_ =	sdelay $0x2  }
0x91: {  	s15 =	simm.s32 $0xA;
	s4 =	simm.s32 $0x10  }
0x92: {  	[smem:s4], [sflag:s15] =	dma.local [hbm:s2], $0x1  }
0x93: {  	_ =	swait.eq [sflag:s15], $0x1  }
0x94: {  	[sflag:s15] =	ssyncset.done $0x0  }
0x95: {  	[sflag:s15] =	ssyncadd.s32 $0xFFFFFFFF  }
0x96: {  	s16 =	sld [smem:$0x10];
	(tm) =	ssettm $0x1  }
0x97: {  	s17 =	sld [smem:$0x3FFB];
	_ =	sdelay $0x3  }
0x98: {  	_ =	strace s17  }
0x99: {  	s3 =	sld [smem:$0x3FFC];
	_ =	sdelay $0x3  }
0x9a: {  	_ =	strace s3  }
0x9b: {  	s3 =	sld [smem:$0x3FFD];
	_ =	sdelay $0x3  }
0x9c: {  	_ =	strace s3  }
0x9d: {  	_ =	strace $0x8FFFFFFF  }
0x9e: {  	s18 =	sld [smem:$0x3FDB];
	_ =	sdelay $0x1  }
0x9f: {  	s19 =	simm.s32 $_scs_section_size  }
0xa0: {  	s5 =	simm.s32 $_size__tile_overlayer_lowered;
	s6 =	simm.s32 $_tile_overlayer_lowered  }
0xa1: {  	s22 =	simm.s32 $0x1BFF;
	s21 =	sshll.u32 s6, $0x1;
	s3 =	sadd.s32 s19, s18  }
0xa2: {  	s7 =	simm.s32 $0x0;
	s20 =	sshll.u32 s5, $0x1;
	s5 =	sadd.s32 s21, s3  }
0xa3: {  	[timem:s7], [sflag:s22] =	dma.local [hbm:s5], s20  }
0xa4: {  	_ =	swait.ge [sflag:s22], s20  }
0xa5: {  	s4 =	ssub.s32 $0x0, s20;
	[sflag:s22] =	ssyncset.done $0x0  }
0xa6: {  	[sflag:s22] =	ssyncadd.s32 s4;
	_ =	sdelay $0x1  }
0xa7: {  	s23 =	simm.s32 $0x1B8B  }
0xa8: {  	_ =	swait.ge [sflag:s23], $0x1  }
0xa9: {  	[sflag:s23] =	ssyncset.done $0x0  }
0xaa: {  	s25 =	simm.s32 $0x1B8E;
	s24 =	sld [smem:$0x3FFE];
	[sflag:s23] =	ssyncadd.s32 $0xFFFFFFFF  }
0xab: {  	s26 =	simm.s32 $execute0_lowered;
	[smem:$0x3FD2] =	sst s25  }
0xac: {  	s5 =	sshll.u32 s26, $0x1;
	_ =	strace $0x80000046;
	[dreg:$0x1] =	wrdreg $0xFFFFFFFF  }
0xad: {  	s28 =	simm.s32 $_size_execute0_lowered;
	s3 =	sadd.s32 s3, s5;
	[dreg:$0x0] =	wrdreg $0x0  }
0xae: {  	s5 =	sshll.u32 s28, $0x1;
	[dreg:$0x2] =	wrdreg s3  }
0xaf: {  	[dreg:$0x3] =	wrdreg s5  }
0xb0: {  	[dreg:$0x4] =	wrdreg $0xC0  }
0xb1: {  	_ =	task [dreg:s7], $0x5FFFF  }
0xb2: {  	[dreg:$0x1] =	wrdreg $0xFFFFFFFF  }
0xb3: {  	[dreg:$0x0] =	wrdreg $0x60  }
0xb4: {  	[dreg:$0x2] =	wrdreg s16  }
0xb5: {  	[dreg:$0x3] =	wrdreg s24  }
0xb6: {  	[dreg:$0x4] =	wrdreg $0x9  }
0xb7: {  	_ =	task.clear_ibuf [dreg:s7], $0x5FFFF;
	_ =	strace $0x90000046  }
0xb8: {  	s29 =	simm.s32 $0x9;
	_ =	strace $0x80000048  }
0xb9: {  	_ =	swait.ge [sflag:s29], $0x1  }
0xba: {  	[sflag:s29] =	ssyncadd.s32 $0xFFFFFFFF  }
0xbb: {  	_ =	strace $0x90000048  }
0xbc: {  	_ =	sfence  }
0xbd: {  	s30 =	sld [smem:$0x0];
	_ =	sdelay $0x2  }
0xbe: {  	s31 =	sshll.u32 s1, $0xD;
	s1 =	sshrl.u32 s1, $0x2  }
0xbf: {  	s3 =	sand.u32 $0x4000, s31;
	s1 =	sadd.s32 s1, s30  }
0xc0: {  	s0 =	sor.u32 s3, s0;
	s1 =	sshll.u32 s1, $0x11  }
0xc1: {  	s0 =	sor.u32 s1, s0  }
0xc2: {  	s0 =	sadd.s32 $0x8F2B, s0  }
0xc3: {  	[sflag:s0] =	ssyncadd.remote.s32 $0x1  }
0xc4: {  	_ =	sfence.sel $0xFFFF  }
0xc5: {  	[dreg:$0x0] =	wrdreg $0xFFFFFFFF;
	(pc) =	sbr.abs _section_cstart, $3  }
0xc6: {  	[dreg:$0x1] =	wrdreg $0xFFFFFFFF  }
0xc7: {  	_ =	task.clear_ibuf [dreg:s7], $0x2FFFF;
	_ =	strace $0x9FFFFFFF  }
0xc8: {  	(tm) =	ssettm $0x7FFFFFFF  }
0xc9: {  	_ =	shalt  }
tec
execute0_lowered:
.L_overlay_start_1:
0x0: {  	(tag) =	ssettag $0x1  }
0x1: {  	v0 =	vimm.s32 $0x76543210;
	v1 =	vimm.s32 $0xFEDCBA98  }
0x2: {  	v2 =	vimm.s32 $0xBA98FEDC;
	v3 =	vimm.s32 $0x32107654;
	v4 =	vimm.s32 $0xDCFE98BA  }
0x3: {  	v5 =	vimm.s32 $0x54761032;
	v6 =	vimm.s32 $0xEFCDAB89;
	v7 =	vimm.s32 $0x67452301  }
0x4: {  	vm0 =	vmmov $0x1;
	vm1 =	vcmask $0x320;
	vm2 =	vcmask $0x720  }
0x5: {  	vm3 =	vcmask $0xB20;
	vm4 =	vcmask $0xF20;
	vm5 =	vcmask $0x1320  }
0x6: {  	s3 =	rddreg [dreg:$0x0];
	v0 =	vunpack.c.l.s4.s8 v0;
	v1 =	vunpack.c.l.s4.s8 v1;
	v2 =	vunpack.c.l.s4.s8 v2  }
0x7: {  	s4 =	rddreg [dreg:$0x1];
	s2 =	srdreg.scid;
	v3 =	vunpack.c.l.s4.s8 v3;
	v4 =	vunpack.c.l.s4.s8 v4;
	v5 =	vunpack.c.l.s4.s8 v5  }
0x8: {  	s0 =	rddreg [dreg:$0x2];
	s1 =	stileid.u32;
	s9 =	simm.s32 $0x0;
	v6 =	vunpack.c.l.s4.s8 v6;
	v7 =	vunpack.c.l.s4.s8 v7;
	v2 =	vunpack.c.0.s8.s32 v2  }
0x9: {  	s5 =	sand.u32 $0x1, s2;
	s2 =	simm.s32 $0x0;
	s6 =	sshll.u32 s1, $0x8;
	v3 =	vunpack.c.0.s8.s32 v3;
	v4 =	vunpack.c.0.s8.s32 v4;
	v5 =	vunpack.c.0.s8.s32 v5  }
0xa: {  	s7 =	sshll.u32 s5, $0x7;
	[smem:$0x7FF] =	sst s2;
	s5 =	ssub.s32 $0x2, s5;
	v1 =	vunpack.c.0.s8.s32 v1;
	v6 =	vunpack.c.0.s8.s32 v6;
	v7 =	vunpack.c.0.s8.s32 v7  }
0xb: {  	s6 =	sor.u32 s7, s6;
	_ =	strace $0x80000047;
	s8 =	sshrl.u32 s5, $0x1;
	v2 =	vcombine.low v3, v2;
	v3 =	vcombine.low v5, v4;
	v4 =	vunpack.c.0.s8.s32 v0  }
0xc: {  	vm6 =	vcmask $0x1720;
	s7 =	sshrl.u32 s6, $0x3;
	s5 =	ssub.s32 s5, s8;
	s3 =	sadd.s32 s3, s6;
	v5 =	vcombine.low v7, v6;
	v1 =	vand.u32 $0xF, v1  }
0xd: {  	vm7 =	vcmask $0x1B20;
	s6 =	simm.s32 $0x1;
	s8 =	simm.s32 $0x2;
	v0 =	vimm.f32 $0.0e+00;
	s4 =	sadd.s32 s7, s4;
	v1 =	vcombine.low v1, v4  }
0xe: {  	s5 =	smax.u32 s5, $0x1;
	s7 =	simm.s32 $0x400;
	s4 =	sadd.s32 $0x80200, s4;
	v2 =	vand.u32 $0xF, v2;
	v3 =	vand.u32 $0xF, v3;
	v4 =	vand.u32 $0xF, v5  }
.LBB2_1:
0xf: {  	[tilespmem:s2], [sflag:$0x1] =	stream.linear.gather [hbm4b:s3+s2], $0x400, $0x38;
	[tilespmem:$0x480] =	vst v63  }
0x10: {  	_ =	swait.ge [sflag:s6], $0x400  }
0x11: {  	[sflag:s6] =	ssyncset.done $0x0  }
0x12: {  	s10 =	simm.s32 $0x0;
	[sflag:s6] =	ssyncadd.s32 $0xFFFFFC00  }
0x13: {  	v8 =	vld [tilespmem:s10+$0x0];
	_ =	sdelay $0x3  }
0x14: {  	s31 =	simm.s32 $0x10  }
0x15: {  	v10 =	vld [tilespmem:s31+$0x0];
	vm8 =	veq.s32 v8, $0x0;
	vm9 =	veq.s32 v8, $0x1  }
0x16: {  	vm10 =	veq.s32 v8, $0x5;
	vm11 =	veq.s32 v8, $0x3;
	vm12 =	veq.s32 v8, $0x6  }
0x17: {  	vm13 =	veq.s32 v8, $0x7;
	v5 =	vsel vm10, $0x3F800000, v0;
	v6 =	vsel vm12, $0x3F800000, v0  }
0x18: {  	v9 =	vsel vm13, $0x3F800000, v0;
	vm10 =	veq.s32 v8, $0x2;
	v11 =	vsel vm8, $0x3F800000, v0  }
0x19: {  	v12 =	vsel vm9, $0x3F800000, v0;
	vm8 =	veq.s32 v8, $0x4;
	v14 =	vsel vm11, $0x3F800000, v0  }
0x1a: {  	vm11 =	veq.s32 v10, $0x0;
	vm12 =	veq.s32 v10, $0x1;
	v7 =	vadd.f32 v5, v0  }
0x1b: {  	vm9 =	veq.s32 v10, $0x4;
	v6 =	vadd.f32 v6, v0;
	v5 =	vadd.f32 v9, v0  }
0x1c: {  	v11 =	vadd.f32 v11, v0;
	v9 =	vsel vm10, $0x3F800000, v0;
	v13 =	vadd.f32 v12, v0  }
0x1d: {  	vm10 =	veq.s32 v10, $0x5;
	v8 =	vadd.f32 v9, v0;
	v9 =	vsel vm8, $0x3F800000, v0  }
0x1e: {  	s10 =	simm.s32 $0x80;
	v12 =	vimm.f32 $0.0e+00;
	vm8 =	veq.s32 v10, $0x3;
	v9 =	vadd.f32 v9, v0  }
.LBB2_2:
0x1f: {  	s11 =	sshra.s32 s10, $0x2;
	p0 =	sne.s32 s10, $0xFC0;
	s10 =	sadd.s32 $0x40, s10;
	vm13 =	veq.s32 v10, $0x6;
	vm14 =	veq.s32 v10, $0x7;
	v12 =	vadd.f32 v14, v12  }
0x20: {  	v14 =	vsel vm10, $0x3F800000, v0;
	v15 =	vld [tilespmem:s11+$0x0];
	v16 =	vsel vm13, $0x3F800000, v0;
	v17 =	vsel vm14, $0x3F800000, v0  }
0x21: {  	vm10 =	veq.s32 v10, $0x2;
	v7 =	vadd.f32 v14, v7;
	v6 =	vadd.f32 v16, v6  }
.Ltmp0:
0x22: {  	v10 =	vsel vm11, $0x3F800000, v0;
	v14 =	vsel vm12, $0x3F800000, v0;
	v5 =	vadd.f32 v17, v5;
	(pc) =	sbr.rel @p0 .LBB2_2-.Ltmp0, $4  }
0x23: {  	v11 =	vadd.f32 v10, v11;
	v13 =	vadd.f32 v14, v13;
	v17 =	vsel vm10, $0x3F800000, v0  }
0x24: {  	v14 =	vsel vm8, $0x3F800000, v0;
	v16 =	vsel vm9, $0x3F800000, v0;
	v8 =	vadd.f32 v17, v8  }
0x25: {  	vm11 =	veq.s32 v15, $0x0;
	vm12 =	veq.s32 v15, $0x1;
	vm10 =	veq.s32 v15, $0x5;
	v10 =	vmovc v15  }
0x26: {  	v9 =	vadd.f32 v16, v9;
	vm8 =	veq.s32 v10, $0x3;
	vm9 =	veq.s32 v10, $0x4  }
0x27: {  	v15 =	vsel vm11, $0x3F800000, v0  }
0x28: {  	v16 =	vsel vm12, $0x3F800000, v0;
	v11 =	vadd.f32 v15, v11  }
0x29: {  	v13 =	vadd.f32 v16, v13  }
0x2a: {  	v15 =	vperm.xlane v11, v1  }
0x2b: {  	vm11 =	veq.s32 v10, $0x6;
	vm12 =	veq.s32 v10, $0x7;
	v16 =	vperm.xlane v13, v1  }
0x2c: {  	v12 =	vadd.f32 v14, v12;
	v32 =	vsel vm10, $0x3F800000, v0;
	v11 =	vadd.f32 v15, v11  }
0x2d: {  	vm15 =	veq.s32 v10, $0x2;
	v37 =	vsel vm8, $0x3F800000, v0;
	v13 =	vadd.f32 v16, v13  }
0x2e: {  	v39 =	vsel vm9, $0x3F800000, v0;
	v33 =	vsel vm11, $0x3F800000, v0;
	v15 =	vperm.xlane v11, v2  }
0x2f: {  	v7 =	vadd.f32 v32, v7;
	v9 =	vadd.f32 v39, v9;
	v16 =	vperm.xlane v13, v2  }
0x30: {  	v36 =	vsel vm15, $0x3F800000, v0;
	v6 =	vadd.f32 v33, v6;
	v11 =	vadd.f32 v15, v11  }
0x31: {  	v35 =	vsel vm12, $0x3F800000, v0;
	v8 =	vadd.f32 v36, v8;
	v13 =	vadd.f32 v16, v13  }
0x32: {  	v12 =	vadd.f32 v37, v12;
	v43 =	vperm.xlane v9, v1;
	v15 =	vperm.xlane v11, v3  }
0x33: {  	v5 =	vadd.f32 v35, v5;
	v45 =	vperm.xlane v7, v1;
	v34 =	vperm.xlane v13, v3  }
0x34: {  	v41 =	vperm.xlane v8, v1;
	v42 =	vperm.xlane v12, v1;
	v11 =	vadd.f32 v15, v11  }
0x35: {  	v47 =	vperm.xlane v6, v1;
	v49 =	vperm.xlane v5, v1;
	v10 =	vadd.f32 v34, v13  }
0x36: {  	v9 =	vadd.f32 v43, v9;
	v8 =	vadd.f32 v41, v8;
	v38 =	vperm.xlane v11, v4  }
0x37: {  	v7 =	vadd.f32 v45, v7;
	v44 =	vadd.f32 v42, v12;
	v40 =	vperm.xlane v10, v4  }
0x38: {  	v6 =	vadd.f32 v47, v6;
	v46 =	vperm.xlane v8, v2;
	v11 =	vadd.f32 v38, v11  }
0x39: {  	v5 =	vadd.f32 v49, v5;
	v48 =	vperm.xlane v44, v2;
	v10 =	vadd.f32 v40, v10  }
0x3a: {  	v50 =	vperm.xlane v9, v2;
	v8 =	vadd.f32 v46, v8;
	v11 =	vnsel vm0, $0x0, v11  }
0x3b: {  	v51 =	vperm.xlane v7, v2;
	v10 =	vsel vm1, v11, v10;
	v11 =	vadd.f32 v48, v44  }
0x3c: {  	v53 =	vperm.xlane v6, v2;
	v9 =	vadd.f32 v50, v9;
	v52 =	vperm.xlane v8, v3  }
0x3d: {  	v54 =	vperm.xlane v5, v2;
	v7 =	vadd.f32 v51, v7;
	v15 =	vperm.xlane v11, v3  }
0x3e: {  	v6 =	vadd.f32 v53, v6;
	v55 =	vperm.xlane v9, v3;
	v8 =	vadd.f32 v52, v8  }
0x3f: {  	v5 =	vadd.f32 v54, v5;
	v56 =	vperm.xlane v7, v3;
	v11 =	vadd.f32 v15, v11  }
0x40: {  	v58 =	vperm.xlane v6, v3;
	v9 =	vadd.f32 v55, v9;
	v57 =	vperm.xlane v8, v4  }
0x41: {  	v59 =	vperm.xlane v5, v3;
	v7 =	vadd.f32 v56, v7;
	v15 =	vperm.xlane v11, v4  }
0x42: {  	v6 =	vadd.f32 v58, v6;
	v60 =	vperm.xlane v9, v4;
	v8 =	vadd.f32 v57, v8  }
0x43: {  	v5 =	vadd.f32 v59, v5;
	v61 =	vperm.xlane v7, v4;
	v11 =	vadd.f32 v15, v11  }
0x44: {  	v62 =	vperm.xlane v6, v4;
	v9 =	vadd.f32 v60, v9;
	v8 =	vsel vm2, v10, v8  }
0x45: {  	v63 =	vperm.xlane v5, v4;
	v7 =	vadd.f32 v61, v7;
	v8 =	vsel vm3, v8, v11  }
0x46: {  	v6 =	vadd.f32 v62, v6;
	v8 =	vsel vm4, v8, v9  }
0x47: {  	v5 =	vadd.f32 v63, v5;
	v7 =	vsel vm5, v8, v7  }
0x48: {  	s9 =	sadd.s32 $0x1, s9;
	v6 =	vsel vm6, v7, v6  }
0x49: {  	p0 =	sne.s32 s9, s5;
	v5 =	vsel vm7, v6, v5  }
.Ltmp1:
0x4a: {  	[tilespmem:$0x400] =	vst v5;
	(pc) =	sbr.rel @p0 .LBB2_1-.Ltmp1, $4  }
0x4b: {  	[hbm4b:s4+s2] =	stream.linear.scatter [tilespmem:s7], [sflag:$0x2], $0x80, $0x38;
	[tilespmem:$0x480] =	vst v63  }
0x4c: {  	_ =	swait.ge [sflag:s8], $0x80  }
0x4d: {  	[sflag:s8] =	ssyncset.done $0x0  }
0x4e: {  	[sflag:s8] =	ssyncadd.s32 $0xFFFFFF80  }
0x4f: {  	_ =	sfence.sel $0x180000  }
0x50: {  	[bflag:$0x0] =	sbarrier.arrive $0xFFFF  }
0x51: {  	p0 =	sne.s32 s1, $0x0;
	_ =	strace $0x90000047  }
0x52: {  	s0 =	sadd.s32 @!p0 $0x100000, s0;
	[bflag:$0x2] =	sbarrier.arrive $0xFFFF  }
0x53: {  	[sflag:s0] =	ssyncadd.tile.s32 @!p0 $0x1;
	_ =	shalt  }
.Lfunc_end2:
_tile_overlayer_lowered:
.L_overlay_start_2:
0x54: {  	(tag) =	ssettag $0x2  }
0x55: {  	s0 =	rddreg [dreg:$0x0];
	s2 =	stileid.u32  }
0x56: {  	s1 =	rddreg [dreg:$0x1];
	p0 =	sne.s32 s2, $0x0  }
0x57: {  	s3 =	rddreg [dreg:$0x2];
	[bflag:$0x3] =	sbarrier.arrive $0xFFFF;
	s2 =	simm.s32 @!p0 $0x1C02  }
0x58: {  	[timem:s3], [sflag:s2] =	dma.local @!p0 [hbm:s0], s1  }
0x59: {  	s0 =	simm.s32 @!p0 $0x2  }
0x5a: {  	_ =	swait.ge @!p0 [sflag:s0], s1  }
0x5b: {  	s1 =	ssub.s32 @!p0 $0x0, s1;
	[sflag:s0] =	ssyncset.done @!p0 $0x0  }
0x5c: {  	[sflag:s0] =	ssyncadd.s32 @!p0 s1  }
0x5d: {  	[bflag:$0x3] =	sbarrier.arrive $0xFFFF  }
0x5e: {  	_ =	shalt  }

</sc_bundles>
